<compile_context>
chip_gen: v7x
topology: tpu7x:2x2x1
jax: 0.10.2.dev20260603
libtpu: 0.0.44.dev20260713+nightly
codegen_flags: <defaults>
</compile_context>

<pallas_src>
import functools

import jax
import jax.numpy as jnp
from jax import lax
from jax.experimental import pallas as pl
from jax.experimental.pallas import tpu as pltpu
from jax.experimental.pallas import tpu_sc as plsc

_VOCAB = 1000000
_DEPTH = 32
_B = 16384
_L = 50

_info = plsc.get_sparse_core_info()
_NC = _info.num_cores
_NS = _info.num_subcores
_NW = _NC * _NS
_B_PER_W = _B // _NW
_CB = 16
_NCHUNK = _B_PER_W // _CB
_NPAIR = _NCHUNK // 2

_mesh = plsc.VectorSubcoreMesh(core_axis_name="c", subcore_axis_name="s")


@functools.partial(
    pl.kernel,
    mesh=_mesh,
    out_type=jax.ShapeDtypeStruct((_B, _L, _DEPTH), jnp.int32),
    scratch_types=[
        pltpu.VMEM((_B_PER_W, _L), jnp.int32),
        pltpu.VMEM((_CB, _L, _DEPTH), jnp.int32),
        pltpu.VMEM((_CB, _L, _DEPTH), jnp.int32),
        pltpu.SemaphoreType.DMA,
        pltpu.SemaphoreType.DMA,
        pltpu.SemaphoreType.DMA,
        pltpu.SemaphoreType.DMA,
    ],
    compiler_params=pltpu.CompilerParams(use_tc_tiling_on_sc=False),
)
def _gather_kernel(x_hbm, emb_hbm, out_hbm, idx_v, rows0, rows1,
                   gsem0, gsem1, wsem0, wsem1):
    wid = lax.axis_index("s") * _NC + lax.axis_index("c")
    b_base = wid * _B_PER_W

    pltpu.sync_copy(x_hbm.at[pl.ds(b_base, _B_PER_W)], idx_v)

    rows = (rows0, rows1)
    gsems = (gsem0, gsem1)
    wsems = (wsem0, wsem1)

    def fire(c, b):
        for j in range(_CB):
            pltpu.async_copy(
                emb_hbm.at[idx_v.at[c * _CB + j]],
                rows[b].at[j],
                gsems[b],
            )

    def drain_and_writeback(c, b):
        pltpu.make_async_copy(
            out_hbm.at[pl.ds(0, _CB)], rows[b], gsems[b]
        ).wait()
        pltpu.async_copy(
            rows[b], out_hbm.at[pl.ds(b_base + c * _CB, _CB)], wsems[b]
        )

    def wait_writeback(b):
        pltpu.make_async_copy(
            out_hbm.at[pl.ds(0, _CB)], rows[b], wsems[b]
        ).wait()

    fire(0, 0)

    def pair_body(i, carry):
        c0 = 2 * i
        c1 = c0 + 1

        @pl.when(i > 0)
        def _():
            wait_writeback(1)
        fire(c1, 1)
        drain_and_writeback(c0, 0)

        @pl.when(i < _NPAIR - 1)
        def _():
            wait_writeback(0)
            fire(c0 + 2, 0)
        drain_and_writeback(c1, 1)
        return carry

    lax.fori_loop(0, _NPAIR, pair_body, 0)
    wait_writeback(0)
    wait_writeback(1)


def kernel(x, embedding):
    return _gather_kernel(x, embedding)

# --- scband reference (transcript-rebuilt; emitter-appended) ---
"""Pipeline reference for scband-sequential-embedding-discrete-43061342109816 (READ-ONLY COPY).

The authoritative reference and input builder live on the scoring server;
editing this copy changes nothing except your own understanding.
"""

import jax, jax.numpy as jnp
import numpy as np

VOCAB = 1000000
DEPTH = 32
B = 16384
L = 50


def setup_inputs(seed: int = 0) -> dict:
    key = jax.random.key(seed)
    k1, k2 = jax.random.split(key)
    # x: flattened/2D representation of discrete indices into the table
    x = jax.random.randint(k1, (B, L), 0, VOCAB, dtype=jnp.int32)
    # non-learned int32 embedding table (the module stores it as an int32 variable)
    embedding = jax.random.randint(k2, (VOCAB, DEPTH), 0, 8192, dtype=jnp.int32)
    return {"x": x, "embedding": embedding}


def reference(x, embedding):
    # Faithful translation of call(): self.embedding[x, :]
    # Row-gather from the int32 table -> output shape [B, L, DEPTH]
    return jnp.take(embedding, x, axis=0)

if __name__ == "__main__":
    import jax
    _d = setup_inputs()
    print(jax.jit(kernel)(*tuple(_d.values())))

</pallas_src>

<mosaic_0001>
#map = affine_map<(d0, d1) -> (0, 0)>
#map1 = affine_map<(d0, d1) -> (0, 0, 0)>
module attributes {stable_mosaic.version = 14 : i64} {
  func.func @_gather_kernel(%arg0: i32, %arg1: i32, %arg2: memref<16384x50xi32, #tpu.memory_space<hbm>>, %arg3: memref<1000000x32xi32, #tpu.memory_space<hbm>>, %arg4: memref<16384x50x32xi32, #tpu.memory_space<hbm>>, %arg5: memref<512x50xi32, #tpu.memory_space<vmem>>, %arg6: memref<16x50x32xi32, #tpu.memory_space<vmem>>, %arg7: memref<16x50x32xi32, #tpu.memory_space<vmem>>, %arg8: memref<!tpu.dma_semaphore, #tpu.memory_space<semaphore_mem>>, %arg9: memref<!tpu.dma_semaphore, #tpu.memory_space<semaphore_mem>>, %arg10: memref<!tpu.dma_semaphore, #tpu.memory_space<semaphore_mem>>, %arg11: memref<!tpu.dma_semaphore, #tpu.memory_space<semaphore_mem>>) attributes {dimension_semantics = [#tpu.dimension_semantics<core_parallel>, #tpu.dimension_semantics<subcore_parallel>], iteration_bounds = array<i64: 2, 16>, scalar_prefetch = 0 : i64, scratch_operands = 7 : i64, tpu.core_type = #tpu.core_type<sc_vector_subcore>, window_params = [{transform_indices = #map}, {transform_indices = #map}, {transform_indices = #map1}]} {
    %mul3A = arith.constant 2 : i32
    %mul3A_0 = arith.muli %arg1, %mul3A : i32
    %add3A = arith.addi %mul3A_0, %arg0 : i32
    %mul3A_1 = arith.constant 512 : i32
    %mul3A_2 = arith.muli %add3A, %mul3A_1 : i32
    "tpu.region"() ({
      %run_scoped3A = tpu.sem_alloc : memref<!tpu.dma_semaphore, #tpu.memory_space<semaphore_mem>>
      %dma_start3A_214 = arith.constant 0 : i32
      %dma_start3A_215 = tpu.memref_slice %arg2[%mul3A_2, %dma_start3A_214] : memref<16384x50xi32, #tpu.memory_space<hbm>> -> memref<512x50xi32, #tpu.memory_space<hbm>>
      %dma_start3A_216 = arith.constant 0 : i32
      %dma_start3A_217 = tpu.memref_slice %arg2[%mul3A_2, %dma_start3A_216] : memref<16384x50xi32, #tpu.memory_space<hbm>> -> memref<512x50xi32, #tpu.memory_space<hbm>>
      tpu.enqueue_dma source(%dma_start3A_217 : memref<512x50xi32, #tpu.memory_space<hbm>>) target(%arg5 : memref<512x50xi32, #tpu.memory_space<vmem>>) target_semaphore(%run_scoped3A : memref<!tpu.dma_semaphore, #tpu.memory_space<semaphore_mem>>)
      %dma_wait3A_218 = arith.constant 0 : i32
      %dma_wait3A_219 = tpu.memref_slice %arg2[%mul3A_2, %dma_wait3A_218] : memref<16384x50xi32, #tpu.memory_space<hbm>> -> memref<512x50xi32, #tpu.memory_space<hbm>>
      %dma_wait3A_220 = arith.constant 0 : i32
      %dma_wait3A_221 = tpu.memref_slice %arg2[%mul3A_2, %dma_wait3A_220] : memref<16384x50xi32, #tpu.memory_space<hbm>> -> memref<512x50xi32, #tpu.memory_space<hbm>>
      tpu.wait_dma2 semaphore(%run_scoped3A : memref<!tpu.dma_semaphore, #tpu.memory_space<semaphore_mem>>) src(%dma_wait3A_221 : memref<512x50xi32, #tpu.memory_space<hbm>>) dst(%arg5 : memref<512x50xi32, #tpu.memory_space<vmem>>)
      tpu.yield
    }) : () -> ()
    %dma_start3A = arith.constant 0 : i32
    %dma_start3A_3 = arith.constant 0 : i32
    %dma_start3A_4 = arith.constant 0 : i32
    %dma_start3A_5 = arith.constant 0 : i32
    %dma_start3A_6 = tpu.memref_slice %arg6[%dma_start3A_3, %dma_start3A_4, %dma_start3A_5] : memref<16x50x32xi32, #tpu.memory_space<vmem>> -> memref<1x50x32xi32, #tpu.memory_space<vmem>>
    %dma_start3A_7 = tpu.memref_squeeze %dma_start3A_6 : memref<1x50x32xi32, #tpu.memory_space<vmem>> -> memref<50x32xi32, #tpu.memory_space<vmem>>
    %dma_start3A_8 = arith.constant 0 : i32
    %dma_start3A_9 = tpu.memref_slice %arg5[%dma_start3A, %dma_start3A_8] : memref<512x50xi32, #tpu.memory_space<vmem>> -> memref<1x50xi32, #tpu.memory_space<vmem>>
    %dma_start3A_10 = tpu.memref_squeeze %dma_start3A_9 : memref<1x50xi32, #tpu.memory_space<vmem>> -> memref<50xi32, #tpu.memory_space<vmem>>
    %dma_start3A_11 = arith.constant 0 : i32
    %dma_start3A_12 = arith.constant 0 : i32
    %dma_start3A_13 = tpu.memref_slice %arg3[%dma_start3A_11, %dma_start3A_12] : memref<1000000x32xi32, #tpu.memory_space<hbm>> -> memref<1000000x32xi32, #tpu.memory_space<hbm>>
    tpu.enqueue_indirect_dma source(%dma_start3A_13 : memref<1000000x32xi32, #tpu.memory_space<hbm>>) target(%dma_start3A_7 : memref<50x32xi32, #tpu.memory_space<vmem>>) offsets(%dma_start3A_10 : memref<50xi32, #tpu.memory_space<vmem>>) semaphore(%arg8 : memref<!tpu.dma_semaphore, #tpu.memory_space<semaphore_mem>>)
    %dma_start3A_14 = arith.constant 1 : i32
    %dma_start3A_15 = arith.constant 1 : i32
    %dma_start3A_16 = arith.constant 0 : i32
    %dma_start3A_17 = arith.constant 0 : i32
    %dma_start3A_18 = tpu.memref_slice %arg6[%dma_start3A_15, %dma_start3A_16, %dma_start3A_17] : memref<16x50x32xi32, #tpu.memory_space<vmem>> -> memref<1x50x32xi32, #tpu.memory_space<vmem>>
    %dma_start3A_19 = tpu.memref_squeeze %dma_start3A_18 : memref<1x50x32xi32, #tpu.memory_space<vmem>> -> memref<50x32xi32, #tpu.memory_space<vmem>>
    %dma_start3A_20 = arith.constant 0 : i32
    %dma_start3A_21 = tpu.memref_slice %arg5[%dma_start3A_14, %dma_start3A_20] : memref<512x50xi32, #tpu.memory_space<vmem>> -> memref<1x50xi32, #tpu.memory_space<vmem>>
    %dma_start3A_22 = tpu.memref_squeeze %dma_start3A_21 : memref<1x50xi32, #tpu.memory_space<vmem>> -> memref<50xi32, #tpu.memory_space<vmem>>
    %dma_start3A_23 = arith.constant 0 : i32
    %dma_start3A_24 = arith.constant 0 : i32
    %dma_start3A_25 = tpu.memref_slice %arg3[%dma_start3A_23, %dma_start3A_24] : memref<1000000x32xi32, #tpu.memory_space<hbm>> -> memref<1000000x32xi32, #tpu.memory_space<hbm>>
    tpu.enqueue_indirect_dma source(%dma_start3A_25 : memref<1000000x32xi32, #tpu.memory_space<hbm>>) target(%dma_start3A_19 : memref<50x32xi32, #tpu.memory_space<vmem>>) offsets(%dma_start3A_22 : memref<50xi32, #tpu.memory_space<vmem>>) semaphore(%arg8 : memref<!tpu.dma_semaphore, #tpu.memory_space<semaphore_mem>>)
    %dma_start3A_26 = arith.constant 2 : i32
    %dma_start3A_27 = arith.constant 2 : i32
    %dma_start3A_28 = arith.constant 0 : i32
    %dma_start3A_29 = arith.constant 0 : i32
    %dma_start3A_30 = tpu.memref_slice %arg6[%dma_start3A_27, %dma_start3A_28, %dma_start3A_29] : memref<16x50x32xi32, #tpu.memory_space<vmem>> -> memref<1x50x32xi32, #tpu.memory_space<vmem>>
    %dma_start3A_31 = tpu.memref_squeeze %dma_start3A_30 : memref<1x50x32xi32, #tpu.memory_space<vmem>> -> memref<50x32xi32, #tpu.memory_space<vmem>>
    %dma_start3A_32 = arith.constant 0 : i32
    %dma_start3A_33 = tpu.memref_slice %arg5[%dma_start3A_26, %dma_start3A_32] : memref<512x50xi32, #tpu.memory_space<vmem>> -> memref<1x50xi32, #tpu.memory_space<vmem>>
    %dma_start3A_34 = tpu.memref_squeeze %dma_start3A_33 : memref<1x50xi32, #tpu.memory_space<vmem>> -> memref<50xi32, #tpu.memory_space<vmem>>
    %dma_start3A_35 = arith.constant 0 : i32
    %dma_start3A_36 = arith.constant 0 : i32
    %dma_start3A_37 = tpu.memref_slice %arg3[%dma_start3A_35, %dma_start3A_36] : memref<1000000x32xi32, #tpu.memory_space<hbm>> -> memref<1000000x32xi32, #tpu.memory_space<hbm>>
    tpu.enqueue_indirect_dma source(%dma_start3A_37 : memref<1000000x32xi32, #tpu.memory_space<hbm>>) target(%dma_start3A_31 : memref<50x32xi32, #tpu.memory_space<vmem>>) offsets(%dma_start3A_34 : memref<50xi32, #tpu.memory_space<vmem>>) semaphore(%arg8 : memref<!tpu.dma_semaphore, #tpu.memory_space<semaphore_mem>>)
    %dma_start3A_38 = arith.constant 3 : i32
    %dma_start3A_39 = arith.constant 3 : i32
    %dma_start3A_40 = arith.constant 0 : i32
    %dma_start3A_41 = arith.constant 0 : i32
    %dma_start3A_42 = tpu.memref_slice %arg6[%dma_start3A_39, %dma_start3A_40, %dma_start3A_41] : memref<16x50x32xi32, #tpu.memory_space<vmem>> -> memref<1x50x32xi32, #tpu.memory_space<vmem>>
    %dma_start3A_43 = tpu.memref_squeeze %dma_start3A_42 : memref<1x50x32xi32, #tpu.memory_space<vmem>> -> memref<50x32xi32, #tpu.memory_space<vmem>>
    %dma_start3A_44 = arith.constant 0 : i32
    %dma_start3A_45 = tpu.memref_slice %arg5[%dma_start3A_38, %dma_start3A_44] : memref<512x50xi32, #tpu.memory_space<vmem>> -> memref<1x50xi32, #tpu.memory_space<vmem>>
    %dma_start3A_46 = tpu.memref_squeeze %dma_start3A_45 : memref<1x50xi32, #tpu.memory_space<vmem>> -> memref<50xi32, #tpu.memory_space<vmem>>
    %dma_start3A_47 = arith.constant 0 : i32
    %dma_start3A_48 = arith.constant 0 : i32
    %dma_start3A_49 = tpu.memref_slice %arg3[%dma_start3A_47, %dma_start3A_48] : memref<1000000x32xi32, #tpu.memory_space<hbm>> -> memref<1000000x32xi32, #tpu.memory_space<hbm>>
    tpu.enqueue_indirect_dma source(%dma_start3A_49 : memref<1000000x32xi32, #tpu.memory_space<hbm>>) target(%dma_start3A_43 : memref<50x32xi32, #tpu.memory_space<vmem>>) offsets(%dma_start3A_46 : memref<50xi32, #tpu.memory_space<vmem>>) semaphore(%arg8 : memref<!tpu.dma_semaphore, #tpu.memory_space<semaphore_mem>>)
    %dma_start3A_50 = arith.constant 4 : i32
    %dma_start3A_51 = arith.constant 4 : i32
    %dma_start3A_52 = arith.constant 0 : i32
    %dma_start3A_53 = arith.constant 0 : i32
    %dma_start3A_54 = tpu.memref_slice %arg6[%dma_start3A_51, %dma_start3A_52, %dma_start3A_53] : memref<16x50x32xi32, #tpu.memory_space<vmem>> -> memref<1x50x32xi32, #tpu.memory_space<vmem>>
    %dma_start3A_55 = tpu.memref_squeeze %dma_start3A_54 : memref<1x50x32xi32, #tpu.memory_space<vmem>> -> memref<50x32xi32, #tpu.memory_space<vmem>>
    %dma_start3A_56 = arith.constant 0 : i32
    %dma_start3A_57 = tpu.memref_slice %arg5[%dma_start3A_50, %dma_start3A_56] : memref<512x50xi32, #tpu.memory_space<vmem>> -> memref<1x50xi32, #tpu.memory_space<vmem>>
    %dma_start3A_58 = tpu.memref_squeeze %dma_start3A_57 : memref<1x50xi32, #tpu.memory_space<vmem>> -> memref<50xi32, #tpu.memory_space<vmem>>
    %dma_start3A_59 = arith.constant 0 : i32
    %dma_start3A_60 = arith.constant 0 : i32
    %dma_start3A_61 = tpu.memref_slice %arg3[%dma_start3A_59, %dma_start3A_60] : memref<1000000x32xi32, #tpu.memory_space<hbm>> -> memref<1000000x32xi32, #tpu.memory_space<hbm>>
    tpu.enqueue_indirect_dma source(%dma_start3A_61 : memref<1000000x32xi32, #tpu.memory_space<hbm>>) target(%dma_start3A_55 : memref<50x32xi32, #tpu.memory_space<vmem>>) offsets(%dma_start3A_58 : memref<50xi32, #tpu.memory_space<vmem>>) semaphore(%arg8 : memref<!tpu.dma_semaphore, #tpu.memory_space<semaphore_mem>>)
    %dma_start3A_62 = arith.constant 5 : i32
    %dma_start3A_63 = arith.constant 5 : i32
    %dma_start3A_64 = arith.constant 0 : i32
    %dma_start3A_65 = arith.constant 0 : i32
    %dma_start3A_66 = tpu.memref_slice %arg6[%dma_start3A_63, %dma_start3A_64, %dma_start3A_65] : memref<16x50x32xi32, #tpu.memory_space<vmem>> -> memref<1x50x32xi32, #tpu.memory_space<vmem>>
    %dma_start3A_67 = tpu.memref_squeeze %dma_start3A_66 : memref<1x50x32xi32, #tpu.memory_space<vmem>> -> memref<50x32xi32, #tpu.memory_space<vmem>>
    %dma_start3A_68 = arith.constant 0 : i32
    %dma_start3A_69 = tpu.memref_slice %arg5[%dma_start3A_62, %dma_start3A_68] : memref<512x50xi32, #tpu.memory_space<vmem>> -> memref<1x50xi32, #tpu.memory_space<vmem>>
    %dma_start3A_70 = tpu.memref_squeeze %dma_start3A_69 : memref<1x50xi32, #tpu.memory_space<vmem>> -> memref<50xi32, #tpu.memory_space<vmem>>
    %dma_start3A_71 = arith.constant 0 : i32
    %dma_start3A_72 = arith.constant 0 : i32
    %dma_start3A_73 = tpu.memref_slice %arg3[%dma_start3A_71, %dma_start3A_72] : memref<1000000x32xi32, #tpu.memory_space<hbm>> -> memref<1000000x32xi32, #tpu.memory_space<hbm>>
    tpu.enqueue_indirect_dma source(%dma_start3A_73 : memref<1000000x32xi32, #tpu.memory_space<hbm>>) target(%dma_start3A_67 : memref<50x32xi32, #tpu.memory_space<vmem>>) offsets(%dma_start3A_70 : memref<50xi32, #tpu.memory_space<vmem>>) semaphore(%arg8 : memref<!tpu.dma_semaphore, #tpu.memory_space<semaphore_mem>>)
    %dma_start3A_74 = arith.constant 6 : i32
    %dma_start3A_75 = arith.constant 6 : i32
    %dma_start3A_76 = arith.constant 0 : i32
    %dma_start3A_77 = arith.constant 0 : i32
    %dma_start3A_78 = tpu.memref_slice %arg6[%dma_start3A_75, %dma_start3A_76, %dma_start3A_77] : memref<16x50x32xi32, #tpu.memory_space<vmem>> -> memref<1x50x32xi32, #tpu.memory_space<vmem>>
    %dma_start3A_79 = tpu.memref_squeeze %dma_start3A_78 : memref<1x50x32xi32, #tpu.memory_space<vmem>> -> memref<50x32xi32, #tpu.memory_space<vmem>>
    %dma_start3A_80 = arith.constant 0 : i32
    %dma_start3A_81 = tpu.memref_slice %arg5[%dma_start3A_74, %dma_start3A_80] : memref<512x50xi32, #tpu.memory_space<vmem>> -> memref<1x50xi32, #tpu.memory_space<vmem>>
    %dma_start3A_82 = tpu.memref_squeeze %dma_start3A_81 : memref<1x50xi32, #tpu.memory_space<vmem>> -> memref<50xi32, #tpu.memory_space<vmem>>
    %dma_start3A_83 = arith.constant 0 : i32
    %dma_start3A_84 = arith.constant 0 : i32
    %dma_start3A_85 = tpu.memref_slice %arg3[%dma_start3A_83, %dma_start3A_84] : memref<1000000x32xi32, #tpu.memory_space<hbm>> -> memref<1000000x32xi32, #tpu.memory_space<hbm>>
    tpu.enqueue_indirect_dma source(%dma_start3A_85 : memref<1000000x32xi32, #tpu.memory_space<hbm>>) target(%dma_start3A_79 : memref<50x32xi32, #tpu.memory_space<vmem>>) offsets(%dma_start3A_82 : memref<50xi32, #tpu.memory_space<vmem>>) semaphore(%arg8 : memref<!tpu.dma_semaphore, #tpu.memory_space<semaphore_mem>>)
    %dma_start3A_86 = arith.constant 7 : i32
    %dma_start3A_87 = arith.constant 7 : i32
    %dma_start3A_88 = arith.constant 0 : i32
    %dma_start3A_89 = arith.constant 0 : i32
    %dma_start3A_90 = tpu.memref_slice %arg6[%dma_start3A_87, %dma_start3A_88, %dma_start3A_89] : memref<16x50x32xi32, #tpu.memory_space<vmem>> -> memref<1x50x32xi32, #tpu.memory_space<vmem>>
    %dma_start3A_91 = tpu.memref_squeeze %dma_start3A_90 : memref<1x50x32xi32, #tpu.memory_space<vmem>> -> memref<50x32xi32, #tpu.memory_space<vmem>>
    %dma_start3A_92 = arith.constant 0 : i32
    %dma_start3A_93 = tpu.memref_slice %arg5[%dma_start3A_86, %dma_start3A_92] : memref<512x50xi32, #tpu.memory_space<vmem>> -> memref<1x50xi32, #tpu.memory_space<vmem>>
    %dma_start3A_94 = tpu.memref_squeeze %dma_start3A_93 : memref<1x50xi32, #tpu.memory_space<vmem>> -> memref<50xi32, #tpu.memory_space<vmem>>
    %dma_start3A_95 = arith.constant 0 : i32
    %dma_start3A_96 = arith.constant 0 : i32
    %dma_start3A_97 = tpu.memref_slice %arg3[%dma_start3A_95, %dma_start3A_96] : memref<1000000x32xi32, #tpu.memory_space<hbm>> -> memref<1000000x32xi32, #tpu.memory_space<hbm>>
    tpu.enqueue_indirect_dma source(%dma_start3A_97 : memref<1000000x32xi32, #tpu.memory_space<hbm>>) target(%dma_start3A_91 : memref<50x32xi32, #tpu.memory_space<vmem>>) offsets(%dma_start3A_94 : memref<50xi32, #tpu.memory_space<vmem>>) semaphore(%arg8 : memref<!tpu.dma_semaphore, #tpu.memory_space<semaphore_mem>>)
    %dma_start3A_98 = arith.constant 8 : i32
    %dma_start3A_99 = arith.constant 8 : i32
    %dma_start3A_100 = arith.constant 0 : i32
    %dma_start3A_101 = arith.constant 0 : i32
    %dma_start3A_102 = tpu.memref_slice %arg6[%dma_start3A_99, %dma_start3A_100, %dma_start3A_101] : memref<16x50x32xi32, #tpu.memory_space<vmem>> -> memref<1x50x32xi32, #tpu.memory_space<vmem>>
    %dma_start3A_103 = tpu.memref_squeeze %dma_start3A_102 : memref<1x50x32xi32, #tpu.memory_space<vmem>> -> memref<50x32xi32, #tpu.memory_space<vmem>>
    %dma_start3A_104 = arith.constant 0 : i32
    %dma_start3A_105 = tpu.memref_slice %arg5[%dma_start3A_98, %dma_start3A_104] : memref<512x50xi32, #tpu.memory_space<vmem>> -> memref<1x50xi32, #tpu.memory_space<vmem>>
    %dma_start3A_106 = tpu.memref_squeeze %dma_start3A_105 : memref<1x50xi32, #tpu.memory_space<vmem>> -> memref<50xi32, #tpu.memory_space<vmem>>
    %dma_start3A_107 = arith.constant 0 : i32
    %dma_start3A_108 = arith.constant 0 : i32
    %dma_start3A_109 = tpu.memref_slice %arg3[%dma_start3A_107, %dma_start3A_108] : memref<1000000x32xi32, #tpu.memory_space<hbm>> -> memref<1000000x32xi32, #tpu.memory_space<hbm>>
    tpu.enqueue_indirect_dma source(%dma_start3A_109 : memref<1000000x32xi32, #tpu.memory_space<hbm>>) target(%dma_start3A_103 : memref<50x32xi32, #tpu.memory_space<vmem>>) offsets(%dma_start3A_106 : memref<50xi32, #tpu.memory_space<vmem>>) semaphore(%arg8 : memref<!tpu.dma_semaphore, #tpu.memory_space<semaphore_mem>>)
    %dma_start3A_110 = arith.constant 9 : i32
    %dma_start3A_111 = arith.constant 9 : i32
    %dma_start3A_112 = arith.constant 0 : i32
    %dma_start3A_113 = arith.constant 0 : i32
    %dma_start3A_114 = tpu.memref_slice %arg6[%dma_start3A_111, %dma_start3A_112, %dma_start3A_113] : memref<16x50x32xi32, #tpu.memory_space<vmem>> -> memref<1x50x32xi32, #tpu.memory_space<vmem>>
    %dma_start3A_115 = tpu.memref_squeeze %dma_start3A_114 : memref<1x50x32xi32, #tpu.memory_space<vmem>> -> memref<50x32xi32, #tpu.memory_space<vmem>>
    %dma_start3A_116 = arith.constant 0 : i32
    %dma_start3A_117 = tpu.memref_slice %arg5[%dma_start3A_110, %dma_start3A_116] : memref<512x50xi32, #tpu.memory_space<vmem>> -> memref<1x50xi32, #tpu.memory_space<vmem>>
    %dma_start3A_118 = tpu.memref_squeeze %dma_start3A_117 : memref<1x50xi32, #tpu.memory_space<vmem>> -> memref<50xi32, #tpu.memory_space<vmem>>
    %dma_start3A_119 = arith.constant 0 : i32
    %dma_start3A_120 = arith.constant 0 : i32
    %dma_start3A_121 = tpu.memref_slice %arg3[%dma_start3A_119, %dma_start3A_120] : memref<1000000x32xi32, #tpu.memory_space<hbm>> -> memref<1000000x32xi32, #tpu.memory_space<hbm>>
    tpu.enqueue_indirect_dma source(%dma_start3A_121 : memref<1000000x32xi32, #tpu.memory_space<hbm>>) target(%dma_start3A_115 : memref<50x32xi32, #tpu.memory_space<vmem>>) offsets(%dma_start3A_118 : memref<50xi32, #tpu.memory_space<vmem>>) semaphore(%arg8 : memref<!tpu.dma_semaphore, #tpu.memory_space<semaphore_mem>>)
    %dma_start3A_122 = arith.constant 10 : i32
    %dma_start3A_123 = arith.constant 10 : i32
    %dma_start3A_124 = arith.constant 0 : i32
    %dma_start3A_125 = arith.constant 0 : i32
    %dma_start3A_126 = tpu.memref_slice %arg6[%dma_start3A_123, %dma_start3A_124, %dma_start3A_125] : memref<16x50x32xi32, #tpu.memory_space<vmem>> -> memref<1x50x32xi32, #tpu.memory_space<vmem>>
    %dma_start3A_127 = tpu.memref_squeeze %dma_start3A_126 : memref<1x50x32xi32, #tpu.memory_space<vmem>> -> memref<50x32xi32, #tpu.memory_space<vmem>>
    %dma_start3A_128 = arith.constant 0 : i32
    %dma_start3A_129 = tpu.memref_slice %arg5[%dma_start3A_122, %dma_start3A_128] : memref<512x50xi32, #tpu.memory_space<vmem>> -> memref<1x50xi32, #tpu.memory_space<vmem>>
    %dma_start3A_130 = tpu.memref_squeeze %dma_start3A_129 : memref<1x50xi32, #tpu.memory_space<vmem>> -> memref<50xi32, #tpu.memory_space<vmem>>
    %dma_start3A_131 = arith.constant 0 : i32
    %dma_start3A_132 = arith.constant 0 : i32
    %dma_start3A_133 = tpu.memref_slice %arg3[%dma_start3A_131, %dma_start3A_132] : memref<1000000x32xi32, #tpu.memory_space<hbm>> -> memref<1000000x32xi32, #tpu.memory_space<hbm>>
    tpu.enqueue_indirect_dma source(%dma_start3A_133 : memref<1000000x32xi32, #tpu.memory_space<hbm>>) target(%dma_start3A_127 : memref<50x32xi32, #tpu.memory_space<vmem>>) offsets(%dma_start3A_130 : memref<50xi32, #tpu.memory_space<vmem>>) semaphore(%arg8 : memref<!tpu.dma_semaphore, #tpu.memory_space<semaphore_mem>>)
    %dma_start3A_134 = arith.constant 11 : i32
    %dma_start3A_135 = arith.constant 11 : i32
    %dma_start3A_136 = arith.constant 0 : i32
    %dma_start3A_137 = arith.constant 0 : i32
    %dma_start3A_138 = tpu.memref_slice %arg6[%dma_start3A_135, %dma_start3A_136, %dma_start3A_137] : memref<16x50x32xi32, #tpu.memory_space<vmem>> -> memref<1x50x32xi32, #tpu.memory_space<vmem>>
    %dma_start3A_139 = tpu.memref_squeeze %dma_start3A_138 : memref<1x50x32xi32, #tpu.memory_space<vmem>> -> memref<50x32xi32, #tpu.memory_space<vmem>>
    %dma_start3A_140 = arith.constant 0 : i32
    %dma_start3A_141 = tpu.memref_slice %arg5[%dma_start3A_134, %dma_start3A_140] : memref<512x50xi32, #tpu.memory_space<vmem>> -> memref<1x50xi32, #tpu.memory_space<vmem>>
    %dma_start3A_142 = tpu.memref_squeeze %dma_start3A_141 : memref<1x50xi32, #tpu.memory_space<vmem>> -> memref<50xi32, #tpu.memory_space<vmem>>
    %dma_start3A_143 = arith.constant 0 : i32
    %dma_start3A_144 = arith.constant 0 : i32
    %dma_start3A_145 = tpu.memref_slice %arg3[%dma_start3A_143, %dma_start3A_144] : memref<1000000x32xi32, #tpu.memory_space<hbm>> -> memref<1000000x32xi32, #tpu.memory_space<hbm>>
    tpu.enqueue_indirect_dma source(%dma_start3A_145 : memref<1000000x32xi32, #tpu.memory_space<hbm>>) target(%dma_start3A_139 : memref<50x32xi32, #tpu.memory_space<vmem>>) offsets(%dma_start3A_142 : memref<50xi32, #tpu.memory_space<vmem>>) semaphore(%arg8 : memref<!tpu.dma_semaphore, #tpu.memory_space<semaphore_mem>>)
    %dma_start3A_146 = arith.constant 12 : i32
    %dma_start3A_147 = arith.constant 12 : i32
    %dma_start3A_148 = arith.constant 0 : i32
    %dma_start3A_149 = arith.constant 0 : i32
    %dma_start3A_150 = tpu.memref_slice %arg6[%dma_start3A_147, %dma_start3A_148, %dma_start3A_149] : memref<16x50x32xi32, #tpu.memory_space<vmem>> -> memref<1x50x32xi32, #tpu.memory_space<vmem>>
    %dma_start3A_151 = tpu.memref_squeeze %dma_start3A_150 : memref<1x50x32xi32, #tpu.memory_space<vmem>> -> memref<50x32xi32, #tpu.memory_space<vmem>>
    %dma_start3A_152 = arith.constant 0 : i32
    %dma_start3A_153 = tpu.memref_slice %arg5[%dma_start3A_146, %dma_start3A_152] : memref<512x50xi32, #tpu.memory_space<vmem>> -> memref<1x50xi32, #tpu.memory_space<vmem>>
    %dma_start3A_154 = tpu.memref_squeeze %dma_start3A_153 : memref<1x50xi32, #tpu.memory_space<vmem>> -> memref<50xi32, #tpu.memory_space<vmem>>
    %dma_start3A_155 = arith.constant 0 : i32
    %dma_start3A_156 = arith.constant 0 : i32
    %dma_start3A_157 = tpu.memref_slice %arg3[%dma_start3A_155, %dma_start3A_156] : memref<1000000x32xi32, #tpu.memory_space<hbm>> -> memref<1000000x32xi32, #tpu.memory_space<hbm>>
    tpu.enqueue_indirect_dma source(%dma_start3A_157 : memref<1000000x32xi32, #tpu.memory_space<hbm>>) target(%dma_start3A_151 : memref<50x32xi32, #tpu.memory_space<vmem>>) offsets(%dma_start3A_154 : memref<50xi32, #tpu.memory_space<vmem>>) semaphore(%arg8 : memref<!tpu.dma_semaphore, #tpu.memory_space<semaphore_mem>>)
    %dma_start3A_158 = arith.constant 13 : i32
    %dma_start3A_159 = arith.constant 13 : i32
    %dma_start3A_160 = arith.constant 0 : i32
    %dma_start3A_161 = arith.constant 0 : i32
    %dma_start3A_162 = tpu.memref_slice %arg6[%dma_start3A_159, %dma_start3A_160, %dma_start3A_161] : memref<16x50x32xi32, #tpu.memory_space<vmem>> -> memref<1x50x32xi32, #tpu.memory_space<vmem>>
    %dma_start3A_163 = tpu.memref_squeeze %dma_start3A_162 : memref<1x50x32xi32, #tpu.memory_space<vmem>> -> memref<50x32xi32, #tpu.memory_space<vmem>>
    %dma_start3A_164 = arith.constant 0 : i32
    %dma_start3A_165 = tpu.memref_slice %arg5[%dma_start3A_158, %dma_start3A_164] : memref<512x50xi32, #tpu.memory_space<vmem>> -> memref<1x50xi32, #tpu.memory_space<vmem>>
    %dma_start3A_166 = tpu.memref_squeeze %dma_start3A_165 : memref<1x50xi32, #tpu.memory_space<vmem>> -> memref<50xi32, #tpu.memory_space<vmem>>
    %dma_start3A_167 = arith.constant 0 : i32
    %dma_start3A_168 = arith.constant 0 : i32
    %dma_start3A_169 = tpu.memref_slice %arg3[%dma_start3A_167, %dma_start3A_168] : memref<1000000x32xi32, #tpu.memory_space<hbm>> -> memref<1000000x32xi32, #tpu.memory_space<hbm>>
    tpu.enqueue_indirect_dma source(%dma_start3A_169 : memref<1000000x32xi32, #tpu.memory_space<hbm>>) target(%dma_start3A_163 : memref<50x32xi32, #tpu.memory_space<vmem>>) offsets(%dma_start3A_166 : memref<50xi32, #tpu.memory_space<vmem>>) semaphore(%arg8 : memref<!tpu.dma_semaphore, #tpu.memory_space<semaphore_mem>>)
    %dma_start3A_170 = arith.constant 14 : i32
    %dma_start3A_171 = arith.constant 14 : i32
    %dma_start3A_172 = arith.constant 0 : i32
    %dma_start3A_173 = arith.constant 0 : i32
    %dma_start3A_174 = tpu.memref_slice %arg6[%dma_start3A_171, %dma_start3A_172, %dma_start3A_173] : memref<16x50x32xi32, #tpu.memory_space<vmem>> -> memref<1x50x32xi32, #tpu.memory_space<vmem>>
    %dma_start3A_175 = tpu.memref_squeeze %dma_start3A_174 : memref<1x50x32xi32, #tpu.memory_space<vmem>> -> memref<50x32xi32, #tpu.memory_space<vmem>>
    %dma_start3A_176 = arith.constant 0 : i32
    %dma_start3A_177 = tpu.memref_slice %arg5[%dma_start3A_170, %dma_start3A_176] : memref<512x50xi32, #tpu.memory_space<vmem>> -> memref<1x50xi32, #tpu.memory_space<vmem>>
    %dma_start3A_178 = tpu.memref_squeeze %dma_start3A_177 : memref<1x50xi32, #tpu.memory_space<vmem>> -> memref<50xi32, #tpu.memory_space<vmem>>
    %dma_start3A_179 = arith.constant 0 : i32
    %dma_start3A_180 = arith.constant 0 : i32
    %dma_start3A_181 = tpu.memref_slice %arg3[%dma_start3A_179, %dma_start3A_180] : memref<1000000x32xi32, #tpu.memory_space<hbm>> -> memref<1000000x32xi32, #tpu.memory_space<hbm>>
    tpu.enqueue_indirect_dma source(%dma_start3A_181 : memref<1000000x32xi32, #tpu.memory_space<hbm>>) target(%dma_start3A_175 : memref<50x32xi32, #tpu.memory_space<vmem>>) offsets(%dma_start3A_178 : memref<50xi32, #tpu.memory_space<vmem>>) semaphore(%arg8 : memref<!tpu.dma_semaphore, #tpu.memory_space<semaphore_mem>>)
    %dma_start3A_182 = arith.constant 15 : i32
    %dma_start3A_183 = arith.constant 15 : i32
    %dma_start3A_184 = arith.constant 0 : i32
    %dma_start3A_185 = arith.constant 0 : i32
    %dma_start3A_186 = tpu.memref_slice %arg6[%dma_start3A_183, %dma_start3A_184, %dma_start3A_185] : memref<16x50x32xi32, #tpu.memory_space<vmem>> -> memref<1x50x32xi32, #tpu.memory_space<vmem>>
    %dma_start3A_187 = tpu.memref_squeeze %dma_start3A_186 : memref<1x50x32xi32, #tpu.memory_space<vmem>> -> memref<50x32xi32, #tpu.memory_space<vmem>>
    %dma_start3A_188 = arith.constant 0 : i32
    %dma_start3A_189 = tpu.memref_slice %arg5[%dma_start3A_182, %dma_start3A_188] : memref<512x50xi32, #tpu.memory_space<vmem>> -> memref<1x50xi32, #tpu.memory_space<vmem>>
    %dma_start3A_190 = tpu.memref_squeeze %dma_start3A_189 : memref<1x50xi32, #tpu.memory_space<vmem>> -> memref<50xi32, #tpu.memory_space<vmem>>
    %dma_start3A_191 = arith.constant 0 : i32
    %dma_start3A_192 = arith.constant 0 : i32
    %dma_start3A_193 = tpu.memref_slice %arg3[%dma_start3A_191, %dma_start3A_192] : memref<1000000x32xi32, #tpu.memory_space<hbm>> -> memref<1000000x32xi32, #tpu.memory_space<hbm>>
    tpu.enqueue_indirect_dma source(%dma_start3A_193 : memref<1000000x32xi32, #tpu.memory_space<hbm>>) target(%dma_start3A_187 : memref<50x32xi32, #tpu.memory_space<vmem>>) offsets(%dma_start3A_190 : memref<50xi32, #tpu.memory_space<vmem>>) semaphore(%arg8 : memref<!tpu.dma_semaphore, #tpu.memory_space<semaphore_mem>>)
    %scan3A = arith.constant 0 : i32
    %scan3A_194 = arith.constant 0 : i32
    %scan3A_195 = arith.constant 16 : i32
    %scan3A_196 = arith.addi %scan3A_194, %scan3A_195 : i32
    %scan3A_197 = arith.constant 1 : i32
    scf.for %scan3A_214 = %scan3A_194 to %scan3A_196 step %scan3A_197  : i32 {
      %mul3A_215 = arith.constant 2 : i32
      %mul3A_216 = arith.muli %mul3A_215, %scan3A_214 : i32
      %add3A_217 = arith.constant 1 : i32
      %add3A_218 = arith.addi %mul3A_216, %add3A_217 : i32
      %gt3A = arith.constant 0 : i32
      %gt3A_219 = arith.cmpi sgt, %scan3A_214, %gt3A : i32
      %convert_element_type3A = arith.extui %gt3A_219 : i1 to i32
      %cond3A = arith.constant 0 : i32
      %cond3A_220 = arith.cmpi ne, %convert_element_type3A, %cond3A : i32
      scf.if %cond3A_220 {
        %dma_wait3A_499 = arith.constant 0 : i32
        %dma_wait3A_500 = arith.constant 0 : i32
        %dma_wait3A_501 = arith.constant 0 : i32
        %dma_wait3A_502 = tpu.memref_slice %arg4[%dma_wait3A_499, %dma_wait3A_500, %dma_wait3A_501] : memref<16384x50x32xi32, #tpu.memory_space<hbm>> -> memref<16x50x32xi32, #tpu.memory_space<hbm>>
        %dma_wait3A_503 = arith.constant 0 : i32
        %dma_wait3A_504 = arith.constant 0 : i32
        %dma_wait3A_505 = arith.constant 0 : i32
        %dma_wait3A_506 = tpu.memref_slice %arg4[%dma_wait3A_503, %dma_wait3A_504, %dma_wait3A_505] : memref<16384x50x32xi32, #tpu.memory_space<hbm>> -> memref<16x50x32xi32, #tpu.memory_space<hbm>>
        tpu.wait_dma2 semaphore(%arg11 : memref<!tpu.dma_semaphore, #tpu.memory_space<semaphore_mem>>) src(%dma_wait3A_506 : memref<16x50x32xi32, #tpu.memory_space<hbm>>) dst(%arg7 : memref<16x50x32xi32, #tpu.memory_space<vmem>>)
      } else {
      }
      %mul3A_221 = arith.constant 16 : i32
      %mul3A_222 = arith.muli %add3A_218, %mul3A_221 : i32
      %add3A_223 = arith.constant 0 : i32
      %add3A_224 = arith.addi %mul3A_222, %add3A_223 : i32
      %dma_start3A_225 = arith.constant 0 : i32
      %dma_start3A_226 = arith.constant 0 : i32
      %dma_start3A_227 = arith.constant 0 : i32
      %dma_start3A_228 = tpu.memref_slice %arg7[%dma_start3A_225, %dma_start3A_226, %dma_start3A_227] : memref<16x50x32xi32, #tpu.memory_space<vmem>> -> memref<1x50x32xi32, #tpu.memory_space<vmem>>
      %dma_start3A_229 = tpu.memref_squeeze %dma_start3A_228 : memref<1x50x32xi32, #tpu.memory_space<vmem>> -> memref<50x32xi32, #tpu.memory_space<vmem>>
      %dma_start3A_230 = arith.constant 0 : i32
      %dma_start3A_231 = tpu.memref_slice %arg5[%add3A_224, %dma_start3A_230] : memref<512x50xi32, #tpu.memory_space<vmem>> -> memref<1x50xi32, #tpu.memory_space<vmem>>
      %dma_start3A_232 = tpu.memref_squeeze %dma_start3A_231 : memref<1x50xi32, #tpu.memory_space<vmem>> -> memref<50xi32, #tpu.memory_space<vmem>>
      %dma_start3A_233 = arith.constant 0 : i32
      %dma_start3A_234 = arith.constant 0 : i32
      %dma_start3A_235 = tpu.memref_slice %arg3[%dma_start3A_233, %dma_start3A_234] : memref<1000000x32xi32, #tpu.memory_space<hbm>> -> memref<1000000x32xi32, #tpu.memory_space<hbm>>
      tpu.enqueue_indirect_dma source(%dma_start3A_235 : memref<1000000x32xi32, #tpu.memory_space<hbm>>) target(%dma_start3A_229 : memref<50x32xi32, #tpu.memory_space<vmem>>) offsets(%dma_start3A_232 : memref<50xi32, #tpu.memory_space<vmem>>) semaphore(%arg9 : memref<!tpu.dma_semaphore, #tpu.memory_space<semaphore_mem>>)
      %mul3A_236 = arith.constant 16 : i32
      %mul3A_237 = arith.muli %add3A_218, %mul3A_236 : i32
      %add3A_238 = arith.constant 1 : i32
      %add3A_239 = arith.addi %mul3A_237, %add3A_238 : i32
      %dma_start3A_240 = arith.constant 1 : i32
      %dma_start3A_241 = arith.constant 0 : i32
      %dma_start3A_242 = arith.constant 0 : i32
      %dma_start3A_243 = tpu.memref_slice %arg7[%dma_start3A_240, %dma_start3A_241, %dma_start3A_242] : memref<16x50x32xi32, #tpu.memory_space<vmem>> -> memref<1x50x32xi32, #tpu.memory_space<vmem>>
      %dma_start3A_244 = tpu.memref_squeeze %dma_start3A_243 : memref<1x50x32xi32, #tpu.memory_space<vmem>> -> memref<50x32xi32, #tpu.memory_space<vmem>>
      %dma_start3A_245 = arith.constant 0 : i32
      %dma_start3A_246 = tpu.memref_slice %arg5[%add3A_239, %dma_start3A_245] : memref<512x50xi32, #tpu.memory_space<vmem>> -> memref<1x50xi32, #tpu.memory_space<vmem>>
      %dma_start3A_247 = tpu.memref_squeeze %dma_start3A_246 : memref<1x50xi32, #tpu.memory_space<vmem>> -> memref<50xi32, #tpu.memory_space<vmem>>
      %dma_start3A_248 = arith.constant 0 : i32
      %dma_start3A_249 = arith.constant 0 : i32
      %dma_start3A_250 = tpu.memref_slice %arg3[%dma_start3A_248, %dma_start3A_249] : memref<1000000x32xi32, #tpu.memory_space<hbm>> -> memref<1000000x32xi32, #tpu.memory_space<hbm>>
      tpu.enqueue_indirect_dma source(%dma_start3A_250 : memref<1000000x32xi32, #tpu.memory_space<hbm>>) target(%dma_start3A_244 : memref<50x32xi32, #tpu.memory_space<vmem>>) offsets(%dma_start3A_247 : memref<50xi32, #tpu.memory_space<vmem>>) semaphore(%arg9 : memref<!tpu.dma_semaphore, #tpu.memory_space<semaphore_mem>>)
      %mul3A_251 = arith.constant 16 : i32
      %mul3A_252 = arith.muli %add3A_218, %mul3A_251 : i32
      %add3A_253 = arith.constant 2 : i32
      %add3A_254 = arith.addi %mul3A_252, %add3A_253 : i32
      %dma_start3A_255 = arith.constant 2 : i32
      %dma_start3A_256 = arith.constant 0 : i32
      %dma_start3A_257 = arith.constant 0 : i32
      %dma_start3A_258 = tpu.memref_slice %arg7[%dma_start3A_255, %dma_start3A_256, %dma_start3A_257] : memref<16x50x32xi32, #tpu.memory_space<vmem>> -> memref<1x50x32xi32, #tpu.memory_space<vmem>>
      %dma_start3A_259 = tpu.memref_squeeze %dma_start3A_258 : memref<1x50x32xi32, #tpu.memory_space<vmem>> -> memref<50x32xi32, #tpu.memory_space<vmem>>
      %dma_start3A_260 = arith.constant 0 : i32
      %dma_start3A_261 = tpu.memref_slice %arg5[%add3A_254, %dma_start3A_260] : memref<512x50xi32, #tpu.memory_space<vmem>> -> memref<1x50xi32, #tpu.memory_space<vmem>>
      %dma_start3A_262 = tpu.memref_squeeze %dma_start3A_261 : memref<1x50xi32, #tpu.memory_space<vmem>> -> memref<50xi32, #tpu.memory_space<vmem>>
      %dma_start3A_263 = arith.constant 0 : i32
      %dma_start3A_264 = arith.constant 0 : i32
      %dma_start3A_265 = tpu.memref_slice %arg3[%dma_start3A_263, %dma_start3A_264] : memref<1000000x32xi32, #tpu.memory_space<hbm>> -> memref<1000000x32xi32, #tpu.memory_space<hbm>>
      tpu.enqueue_indirect_dma source(%dma_start3A_265 : memref<1000000x32xi32, #tpu.memory_space<hbm>>) target(%dma_start3A_259 : memref<50x32xi32, #tpu.memory_space<vmem>>) offsets(%dma_start3A_262 : memref<50xi32, #tpu.memory_space<vmem>>) semaphore(%arg9 : memref<!tpu.dma_semaphore, #tpu.memory_space<semaphore_mem>>)
      %mul3A_266 = arith.constant 16 : i32
      %mul3A_267 = arith.muli %add3A_218, %mul3A_266 : i32
      %add3A_268 = arith.constant 3 : i32
      %add3A_269 = arith.addi %mul3A_267, %add3A_268 : i32
      %dma_start3A_270 = arith.constant 3 : i32
      %dma_start3A_271 = arith.constant 0 : i32
      %dma_start3A_272 = arith.constant 0 : i32
      %dma_start3A_273 = tpu.memref_slice %arg7[%dma_start3A_270, %dma_start3A_271, %dma_start3A_272] : memref<16x50x32xi32, #tpu.memory_space<vmem>> -> memref<1x50x32xi32, #tpu.memory_space<vmem>>
      %dma_start3A_274 = tpu.memref_squeeze %dma_start3A_273 : memref<1x50x32xi32, #tpu.memory_space<vmem>> -> memref<50x32xi32, #tpu.memory_space<vmem>>
      %dma_start3A_275 = arith.constant 0 : i32
      %dma_start3A_276 = tpu.memref_slice %arg5[%add3A_269, %dma_start3A_275] : memref<512x50xi32, #tpu.memory_space<vmem>> -> memref<1x50xi32, #tpu.memory_space<vmem>>
      %dma_start3A_277 = tpu.memref_squeeze %dma_start3A_276 : memref<1x50xi32, #tpu.memory_space<vmem>> -> memref<50xi32, #tpu.memory_space<vmem>>
      %dma_start3A_278 = arith.constant 0 : i32
      %dma_start3A_279 = arith.constant 0 : i32
      %dma_start3A_280 = tpu.memref_slice %arg3[%dma_start3A_278, %dma_start3A_279] : memref<1000000x32xi32, #tpu.memory_space<hbm>> -> memref<1000000x32xi32, #tpu.memory_space<hbm>>
      tpu.enqueue_indirect_dma source(%dma_start3A_280 : memref<1000000x32xi32, #tpu.memory_space<hbm>>) target(%dma_start3A_274 : memref<50x32xi32, #tpu.memory_space<vmem>>) offsets(%dma_start3A_277 : memref<50xi32, #tpu.memory_space<vmem>>) semaphore(%arg9 : memref<!tpu.dma_semaphore, #tpu.memory_space<semaphore_mem>>)
      %mul3A_281 = arith.constant 16 : i32
      %mul3A_282 = arith.muli %add3A_218, %mul3A_281 : i32
      %add3A_283 = arith.constant 4 : i32
      %add3A_284 = arith.addi %mul3A_282, %add3A_283 : i32
      %dma_start3A_285 = arith.constant 4 : i32
      %dma_start3A_286 = arith.constant 0 : i32
      %dma_start3A_287 = arith.constant 0 : i32
      %dma_start3A_288 = tpu.memref_slice %arg7[%dma_start3A_285, %dma_start3A_286, %dma_start3A_287] : memref<16x50x32xi32, #tpu.memory_space<vmem>> -> memref<1x50x32xi32, #tpu.memory_space<vmem>>
      %dma_start3A_289 = tpu.memref_squeeze %dma_start3A_288 : memref<1x50x32xi32, #tpu.memory_space<vmem>> -> memref<50x32xi32, #tpu.memory_space<vmem>>
      %dma_start3A_290 = arith.constant 0 : i32
      %dma_start3A_291 = tpu.memref_slice %arg5[%add3A_284, %dma_start3A_290] : memref<512x50xi32, #tpu.memory_space<vmem>> -> memref<1x50xi32, #tpu.memory_space<vmem>>
      %dma_start3A_292 = tpu.memref_squeeze %dma_start3A_291 : memref<1x50xi32, #tpu.memory_space<vmem>> -> memref<50xi32, #tpu.memory_space<vmem>>
      %dma_start3A_293 = arith.constant 0 : i32
      %dma_start3A_294 = arith.constant 0 : i32
      %dma_start3A_295 = tpu.memref_slice %arg3[%dma_start3A_293, %dma_start3A_294] : memref<1000000x32xi32, #tpu.memory_space<hbm>> -> memref<1000000x32xi32, #tpu.memory_space<hbm>>
      tpu.enqueue_indirect_dma source(%dma_start3A_295 : memref<1000000x32xi32, #tpu.memory_space<hbm>>) target(%dma_start3A_289 : memref<50x32xi32, #tpu.memory_space<vmem>>) offsets(%dma_start3A_292 : memref<50xi32, #tpu.memory_space<vmem>>) semaphore(%arg9 : memref<!tpu.dma_semaphore, #tpu.memory_space<semaphore_mem>>)
      %mul3A_296 = arith.constant 16 : i32
      %mul3A_297 = arith.muli %add3A_218, %mul3A_296 : i32
      %add3A_298 = arith.constant 5 : i32
      %add3A_299 = arith.addi %mul3A_297, %add3A_298 : i32
      %dma_start3A_300 = arith.constant 5 : i32
      %dma_start3A_301 = arith.constant 0 : i32
      %dma_start3A_302 = arith.constant 0 : i32
      %dma_start3A_303 = tpu.memref_slice %arg7[%dma_start3A_300, %dma_start3A_301, %dma_start3A_302] : memref<16x50x32xi32, #tpu.memory_space<vmem>> -> memref<1x50x32xi32, #tpu.memory_space<vmem>>
      %dma_start3A_304 = tpu.memref_squeeze %dma_start3A_303 : memref<1x50x32xi32, #tpu.memory_space<vmem>> -> memref<50x32xi32, #tpu.memory_space<vmem>>
      %dma_start3A_305 = arith.constant 0 : i32
      %dma_start3A_306 = tpu.memref_slice %arg5[%add3A_299, %dma_start3A_305] : memref<512x50xi32, #tpu.memory_space<vmem>> -> memref<1x50xi32, #tpu.memory_space<vmem>>
      %dma_start3A_307 = tpu.memref_squeeze %dma_start3A_306 : memref<1x50xi32, #tpu.memory_space<vmem>> -> memref<50xi32, #tpu.memory_space<vmem>>
      %dma_start3A_308 = arith.constant 0 : i32
      %dma_start3A_309 = arith.constant 0 : i32
      %dma_start3A_310 = tpu.memref_slice %arg3[%dma_start3A_308, %dma_start3A_309] : memref<1000000x32xi32, #tpu.memory_space<hbm>> -> memref<1000000x32xi32, #tpu.memory_space<hbm>>
      tpu.enqueue_indirect_dma source(%dma_start3A_310 : memref<1000000x32xi32, #tpu.memory_space<hbm>>) target(%dma_start3A_304 : memref<50x32xi32, #tpu.memory_space<vmem>>) offsets(%dma_start3A_307 : memref<50xi32, #tpu.memory_space<vmem>>) semaphore(%arg9 : memref<!tpu.dma_semaphore, #tpu.memory_space<semaphore_mem>>)
      %mul3A_311 = arith.constant 16 : i32
      %mul3A_312 = arith.muli %add3A_218, %mul3A_311 : i32
      %add3A_313 = arith.constant 6 : i32
      %add3A_314 = arith.addi %mul3A_312, %add3A_313 : i32
      %dma_start3A_315 = arith.constant 6 : i32
      %dma_start3A_316 = arith.constant 0 : i32
      %dma_start3A_317 = arith.constant 0 : i32
      %dma_start3A_318 = tpu.memref_slice %arg7[%dma_start3A_315, %dma_start3A_316, %dma_start3A_317] : memref<16x50x32xi32, #tpu.memory_space<vmem>> -> memref<1x50x32xi32, #tpu.memory_space<vmem>>
      %dma_start3A_319 = tpu.memref_squeeze %dma_start3A_318 : memref<1x50x32xi32, #tpu.memory_space<vmem>> -> memref<50x32xi32, #tpu.memory_space<vmem>>
      %dma_start3A_320 = arith.constant 0 : i32
      %dma_start3A_321 = tpu.memref_slice %arg5[%add3A_314, %dma_start3A_320] : memref<512x50xi32, #tpu.memory_space<vmem>> -> memref<1x50xi32, #tpu.memory_space<vmem>>
      %dma_start3A_322 = tpu.memref_squeeze %dma_start3A_321 : memref<1x50xi32, #tpu.memory_space<vmem>> -> memref<50xi32, #tpu.memory_space<vmem>>
      %dma_start3A_323 = arith.constant 0 : i32
      %dma_start3A_324 = arith.constant 0 : i32
      %dma_start3A_325 = tpu.memref_slice %arg3[%dma_start3A_323, %dma_start3A_324] : memref<1000000x32xi32, #tpu.memory_space<hbm>> -> memref<1000000x32xi32, #tpu.memory_space<hbm>>
      tpu.enqueue_indirect_dma source(%dma_start3A_325 : memref<1000000x32xi32, #tpu.memory_space<hbm>>) target(%dma_start3A_319 : memref<50x32xi32, #tpu.memory_space<vmem>>) offsets(%dma_start3A_322 : memref<50xi32, #tpu.memory_space<vmem>>) semaphore(%arg9 : memref<!tpu.dma_semaphore, #tpu.memory_space<semaphore_mem>>)
      %mul3A_326 = arith.constant 16 : i32
      %mul3A_327 = arith.muli %add3A_218, %mul3A_326 : i32
      %add3A_328 = arith.constant 7 : i32
      %add3A_329 = arith.addi %mul3A_327, %add3A_328 : i32
      %dma_start3A_330 = arith.constant 7 : i32
      %dma_start3A_331 = arith.constant 0 : i32
      %dma_start3A_332 = arith.constant 0 : i32
      %dma_start3A_333 = tpu.memref_slice %arg7[%dma_start3A_330, %dma_start3A_331, %dma_start3A_332] : memref<16x50x32xi32, #tpu.memory_space<vmem>> -> memref<1x50x32xi32, #tpu.memory_space<vmem>>
      %dma_start3A_334 = tpu.memref_squeeze %dma_start3A_333 : memref<1x50x32xi32, #tpu.memory_space<vmem>> -> memref<50x32xi32, #tpu.memory_space<vmem>>
      %dma_start3A_335 = arith.constant 0 : i32
      %dma_start3A_336 = tpu.memref_slice %arg5[%add3A_329, %dma_start3A_335] : memref<512x50xi32, #tpu.memory_space<vmem>> -> memref<1x50xi32, #tpu.memory_space<vmem>>
      %dma_start3A_337 = tpu.memref_squeeze %dma_start3A_336 : memref<1x50xi32, #tpu.memory_space<vmem>> -> memref<50xi32, #tpu.memory_space<vmem>>
      %dma_start3A_338 = arith.constant 0 : i32
      %dma_start3A_339 = arith.constant 0 : i32
      %dma_start3A_340 = tpu.memref_slice %arg3[%dma_start3A_338, %dma_start3A_339] : memref<1000000x32xi32, #tpu.memory_space<hbm>> -> memref<1000000x32xi32, #tpu.memory_space<hbm>>
      tpu.enqueue_indirect_dma source(%dma_start3A_340 : memref<1000000x32xi32, #tpu.memory_space<hbm>>) target(%dma_start3A_334 : memref<50x32xi32, #tpu.memory_space<vmem>>) offsets(%dma_start3A_337 : memref<50xi32, #tpu.memory_space<vmem>>) semaphore(%arg9 : memref<!tpu.dma_semaphore, #tpu.memory_space<semaphore_mem>>)
      %mul3A_341 = arith.constant 16 : i32
      %mul3A_342 = arith.muli %add3A_218, %mul3A_341 : i32
      %add3A_343 = arith.constant 8 : i32
      %add3A_344 = arith.addi %mul3A_342, %add3A_343 : i32
      %dma_start3A_345 = arith.constant 8 : i32
      %dma_start3A_346 = arith.constant 0 : i32
      %dma_start3A_347 = arith.constant 0 : i32
      %dma_start3A_348 = tpu.memref_slice %arg7[%dma_start3A_345, %dma_start3A_346, %dma_start3A_347] : memref<16x50x32xi32, #tpu.memory_space<vmem>> -> memref<1x50x32xi32, #tpu.memory_space<vmem>>
      %dma_start3A_349 = tpu.memref_squeeze %dma_start3A_348 : memref<1x50x32xi32, #tpu.memory_space<vmem>> -> memref<50x32xi32, #tpu.memory_space<vmem>>
      %dma_start3A_350 = arith.constant 0 : i32
      %dma_start3A_351 = tpu.memref_slice %arg5[%add3A_344, %dma_start3A_350] : memref<512x50xi32, #tpu.memory_space<vmem>> -> memref<1x50xi32, #tpu.memory_space<vmem>>
      %dma_start3A_352 = tpu.memref_squeeze %dma_start3A_351 : memref<1x50xi32, #tpu.memory_space<vmem>> -> memref<50xi32, #tpu.memory_space<vmem>>
      %dma_start3A_353 = arith.constant 0 : i32
      %dma_start3A_354 = arith.constant 0 : i32
      %dma_start3A_355 = tpu.memref_slice %arg3[%dma_start3A_353, %dma_start3A_354] : memref<1000000x32xi32, #tpu.memory_space<hbm>> -> memref<1000000x32xi32, #tpu.memory_space<hbm>>
      tpu.enqueue_indirect_dma source(%dma_start3A_355 : memref<1000000x32xi32, #tpu.memory_space<hbm>>) target(%dma_start3A_349 : memref<50x32xi32, #tpu.memory_space<vmem>>) offsets(%dma_start3A_352 : memref<50xi32, #tpu.memory_space<vmem>>) semaphore(%arg9 : memref<!tpu.dma_semaphore, #tpu.memory_space<semaphore_mem>>)
      %mul3A_356 = arith.constant 16 : i32
      %mul3A_357 = arith.muli %add3A_218, %mul3A_356 : i32
      %add3A_358 = arith.constant 9 : i32
      %add3A_359 = arith.addi %mul3A_357, %add3A_358 : i32
      %dma_start3A_360 = arith.constant 9 : i32
      %dma_start3A_361 = arith.constant 0 : i32
      %dma_start3A_362 = arith.constant 0 : i32
      %dma_start3A_363 = tpu.memref_slice %arg7[%dma_start3A_360, %dma_start3A_361, %dma_start3A_362] : memref<16x50x32xi32, #tpu.memory_space<vmem>> -> memref<1x50x32xi32, #tpu.memory_space<vmem>>
      %dma_start3A_364 = tpu.memref_squeeze %dma_start3A_363 : memref<1x50x32xi32, #tpu.memory_space<vmem>> -> memref<50x32xi32, #tpu.memory_space<vmem>>
      %dma_start3A_365 = arith.constant 0 : i32
      %dma_start3A_366 = tpu.memref_slice %arg5[%add3A_359, %dma_start3A_365] : memref<512x50xi32, #tpu.memory_space<vmem>> -> memref<1x50xi32, #tpu.memory_space<vmem>>
      %dma_start3A_367 = tpu.memref_squeeze %dma_start3A_366 : memref<1x50xi32, #tpu.memory_space<vmem>> -> memref<50xi32, #tpu.memory_space<vmem>>
      %dma_start3A_368 = arith.constant 0 : i32
      %dma_start3A_369 = arith.constant 0 : i32
      %dma_start3A_370 = tpu.memref_slice %arg3[%dma_start3A_368, %dma_start3A_369] : memref<1000000x32xi32, #tpu.memory_space<hbm>> -> memref<1000000x32xi32, #tpu.memory_space<hbm>>
      tpu.enqueue_indirect_dma source(%dma_start3A_370 : memref<1000000x32xi32, #tpu.memory_space<hbm>>) target(%dma_start3A_364 : memref<50x32xi32, #tpu.memory_space<vmem>>) offsets(%dma_start3A_367 : memref<50xi32, #tpu.memory_space<vmem>>) semaphore(%arg9 : memref<!tpu.dma_semaphore, #tpu.memory_space<semaphore_mem>>)
      %mul3A_371 = arith.constant 16 : i32
      %mul3A_372 = arith.muli %add3A_218, %mul3A_371 : i32
      %add3A_373 = arith.constant 10 : i32
      %add3A_374 = arith.addi %mul3A_372, %add3A_373 : i32
      %dma_start3A_375 = arith.constant 10 : i32
      %dma_start3A_376 = arith.constant 0 : i32
      %dma_start3A_377 = arith.constant 0 : i32
      %dma_start3A_378 = tpu.memref_slice %arg7[%dma_start3A_375, %dma_start3A_376, %dma_start3A_377] : memref<16x50x32xi32, #tpu.memory_space<vmem>> -> memref<1x50x32xi32, #tpu.memory_space<vmem>>
      %dma_start3A_379 = tpu.memref_squeeze %dma_start3A_378 : memref<1x50x32xi32, #tpu.memory_space<vmem>> -> memref<50x32xi32, #tpu.memory_space<vmem>>
      %dma_start3A_380 = arith.constant 0 : i32
      %dma_start3A_381 = tpu.memref_slice %arg5[%add3A_374, %dma_start3A_380] : memref<512x50xi32, #tpu.memory_space<vmem>> -> memref<1x50xi32, #tpu.memory_space<vmem>>
      %dma_start3A_382 = tpu.memref_squeeze %dma_start3A_381 : memref<1x50xi32, #tpu.memory_space<vmem>> -> memref<50xi32, #tpu.memory_space<vmem>>
      %dma_start3A_383 = arith.constant 0 : i32
      %dma_start3A_384 = arith.constant 0 : i32
      %dma_start3A_385 = tpu.memref_slice %arg3[%dma_start3A_383, %dma_start3A_384] : memref<1000000x32xi32, #tpu.memory_space<hbm>> -> memref<1000000x32xi32, #tpu.memory_space<hbm>>
      tpu.enqueue_indirect_dma source(%dma_start3A_385 : memref<1000000x32xi32, #tpu.memory_space<hbm>>) target(%dma_start3A_379 : memref<50x32xi32, #tpu.memory_space<vmem>>) offsets(%dma_start3A_382 : memref<50xi32, #tpu.memory_space<vmem>>) semaphore(%arg9 : memref<!tpu.dma_semaphore, #tpu.memory_space<semaphore_mem>>)
      %mul3A_386 = arith.constant 16 : i32
      %mul3A_387 = arith.muli %add3A_218, %mul3A_386 : i32
      %add3A_388 = arith.constant 11 : i32
      %add3A_389 = arith.addi %mul3A_387, %add3A_388 : i32
      %dma_start3A_390 = arith.constant 11 : i32
      %dma_start3A_391 = arith.constant 0 : i32
      %dma_start3A_392 = arith.constant 0 : i32
      %dma_start3A_393 = tpu.memref_slice %arg7[%dma_start3A_390, %dma_start3A_391, %dma_start3A_392] : memref<16x50x32xi32, #tpu.memory_space<vmem>> -> memref<1x50x32xi32, #tpu.memory_space<vmem>>
      %dma_start3A_394 = tpu.memref_squeeze %dma_start3A_393 : memref<1x50x32xi32, #tpu.memory_space<vmem>> -> memref<50x32xi32, #tpu.memory_space<vmem>>
      %dma_start3A_395 = arith.constant 0 : i32
      %dma_start3A_396 = tpu.memref_slice %arg5[%add3A_389, %dma_start3A_395] : memref<512x50xi32, #tpu.memory_space<vmem>> -> memref<1x50xi32, #tpu.memory_space<vmem>>
      %dma_start3A_397 = tpu.memref_squeeze %dma_start3A_396 : memref<1x50xi32, #tpu.memory_space<vmem>> -> memref<50xi32, #tpu.memory_space<vmem>>
      %dma_start3A_398 = arith.constant 0 : i32
      %dma_start3A_399 = arith.constant 0 : i32
      %dma_start3A_400 = tpu.memref_slice %arg3[%dma_start3A_398, %dma_start3A_399] : memref<1000000x32xi32, #tpu.memory_space<hbm>> -> memref<1000000x32xi32, #tpu.memory_space<hbm>>
      tpu.enqueue_indirect_dma source(%dma_start3A_400 : memref<1000000x32xi32, #tpu.memory_space<hbm>>) target(%dma_start3A_394 : memref<50x32xi32, #tpu.memory_space<vmem>>) offsets(%dma_start3A_397 : memref<50xi32, #tpu.memory_space<vmem>>) semaphore(%arg9 : memref<!tpu.dma_semaphore, #tpu.memory_space<semaphore_mem>>)
      %mul3A_401 = arith.constant 16 : i32
      %mul3A_402 = arith.muli %add3A_218, %mul3A_401 : i32
      %add3A_403 = arith.constant 12 : i32
      %add3A_404 = arith.addi %mul3A_402, %add3A_403 : i32
      %dma_start3A_405 = arith.constant 12 : i32
      %dma_start3A_406 = arith.constant 0 : i32
      %dma_start3A_407 = arith.constant 0 : i32
      %dma_start3A_408 = tpu.memref_slice %arg7[%dma_start3A_405, %dma_start3A_406, %dma_start3A_407] : memref<16x50x32xi32, #tpu.memory_space<vmem>> -> memref<1x50x32xi32, #tpu.memory_space<vmem>>
      %dma_start3A_409 = tpu.memref_squeeze %dma_start3A_408 : memref<1x50x32xi32, #tpu.memory_space<vmem>> -> memref<50x32xi32, #tpu.memory_space<vmem>>
      %dma_start3A_410 = arith.constant 0 : i32
      %dma_start3A_411 = tpu.memref_slice %arg5[%add3A_404, %dma_start3A_410] : memref<512x50xi32, #tpu.memory_space<vmem>> -> memref<1x50xi32, #tpu.memory_space<vmem>>
      %dma_start3A_412 = tpu.memref_squeeze %dma_start3A_411 : memref<1x50xi32, #tpu.memory_space<vmem>> -> memref<50xi32, #tpu.memory_space<vmem>>
      %dma_start3A_413 = arith.constant 0 : i32
      %dma_start3A_414 = arith.constant 0 : i32
      %dma_start3A_415 = tpu.memref_slice %arg3[%dma_start3A_413, %dma_start3A_414] : memref<1000000x32xi32, #tpu.memory_space<hbm>> -> memref<1000000x32xi32, #tpu.memory_space<hbm>>
      tpu.enqueue_indirect_dma source(%dma_start3A_415 : memref<1000000x32xi32, #tpu.memory_space<hbm>>) target(%dma_start3A_409 : memref<50x32xi32, #tpu.memory_space<vmem>>) offsets(%dma_start3A_412 : memref<50xi32, #tpu.memory_space<vmem>>) semaphore(%arg9 : memref<!tpu.dma_semaphore, #tpu.memory_space<semaphore_mem>>)
      %mul3A_416 = arith.constant 16 : i32
      %mul3A_417 = arith.muli %add3A_218, %mul3A_416 : i32
      %add3A_418 = arith.constant 13 : i32
      %add3A_419 = arith.addi %mul3A_417, %add3A_418 : i32
      %dma_start3A_420 = arith.constant 13 : i32
      %dma_start3A_421 = arith.constant 0 : i32
      %dma_start3A_422 = arith.constant 0 : i32
      %dma_start3A_423 = tpu.memref_slice %arg7[%dma_start3A_420, %dma_start3A_421, %dma_start3A_422] : memref<16x50x32xi32, #tpu.memory_space<vmem>> -> memref<1x50x32xi32, #tpu.memory_space<vmem>>
      %dma_start3A_424 = tpu.memref_squeeze %dma_start3A_423 : memref<1x50x32xi32, #tpu.memory_space<vmem>> -> memref<50x32xi32, #tpu.memory_space<vmem>>
      %dma_start3A_425 = arith.constant 0 : i32
      %dma_start3A_426 = tpu.memref_slice %arg5[%add3A_419, %dma_start3A_425] : memref<512x50xi32, #tpu.memory_space<vmem>> -> memref<1x50xi32, #tpu.memory_space<vmem>>
      %dma_start3A_427 = tpu.memref_squeeze %dma_start3A_426 : memref<1x50xi32, #tpu.memory_space<vmem>> -> memref<50xi32, #tpu.memory_space<vmem>>
      %dma_start3A_428 = arith.constant 0 : i32
      %dma_start3A_429 = arith.constant 0 : i32
      %dma_start3A_430 = tpu.memref_slice %arg3[%dma_start3A_428, %dma_start3A_429] : memref<1000000x32xi32, #tpu.memory_space<hbm>> -> memref<1000000x32xi32, #tpu.memory_space<hbm>>
      tpu.enqueue_indirect_dma source(%dma_start3A_430 : memref<1000000x32xi32, #tpu.memory_space<hbm>>) target(%dma_start3A_424 : memref<50x32xi32, #tpu.memory_space<vmem>>) offsets(%dma_start3A_427 : memref<50xi32, #tpu.memory_space<vmem>>) semaphore(%arg9 : memref<!tpu.dma_semaphore, #tpu.memory_space<semaphore_mem>>)
      %mul3A_431 = arith.constant 16 : i32
      %mul3A_432 = arith.muli %add3A_218, %mul3A_431 : i32
      %add3A_433 = arith.constant 14 : i32
      %add3A_434 = arith.addi %mul3A_432, %add3A_433 : i32
      %dma_start3A_435 = arith.constant 14 : i32
      %dma_start3A_436 = arith.constant 0 : i32
      %dma_start3A_437 = arith.constant 0 : i32
      %dma_start3A_438 = tpu.memref_slice %arg7[%dma_start3A_435, %dma_start3A_436, %dma_start3A_437] : memref<16x50x32xi32, #tpu.memory_space<vmem>> -> memref<1x50x32xi32, #tpu.memory_space<vmem>>
      %dma_start3A_439 = tpu.memref_squeeze %dma_start3A_438 : memref<1x50x32xi32, #tpu.memory_space<vmem>> -> memref<50x32xi32, #tpu.memory_space<vmem>>
      %dma_start3A_440 = arith.constant 0 : i32
      %dma_start3A_441 = tpu.memref_slice %arg5[%add3A_434, %dma_start3A_440] : memref<512x50xi32, #tpu.memory_space<vmem>> -> memref<1x50xi32, #tpu.memory_space<vmem>>
      %dma_start3A_442 = tpu.memref_squeeze %dma_start3A_441 : memref<1x50xi32, #tpu.memory_space<vmem>> -> memref<50xi32, #tpu.memory_space<vmem>>
      %dma_start3A_443 = arith.constant 0 : i32
      %dma_start3A_444 = arith.constant 0 : i32
      %dma_start3A_445 = tpu.memref_slice %arg3[%dma_start3A_443, %dma_start3A_444] : memref<1000000x32xi32, #tpu.memory_space<hbm>> -> memref<1000000x32xi32, #tpu.memory_space<hbm>>
      tpu.enqueue_indirect_dma source(%dma_start3A_445 : memref<1000000x32xi32, #tpu.memory_space<hbm>>) target(%dma_start3A_439 : memref<50x32xi32, #tpu.memory_space<vmem>>) offsets(%dma_start3A_442 : memref<50xi32, #tpu.memory_space<vmem>>) semaphore(%arg9 : memref<!tpu.dma_semaphore, #tpu.memory_space<semaphore_mem>>)
      %mul3A_446 = arith.constant 16 : i32
      %mul3A_447 = arith.muli %add3A_218, %mul3A_446 : i32
      %add3A_448 = arith.constant 15 : i32
      %add3A_449 = arith.addi %mul3A_447, %add3A_448 : i32
      %dma_start3A_450 = arith.constant 15 : i32
      %dma_start3A_451 = arith.constant 0 : i32
      %dma_start3A_452 = arith.constant 0 : i32
      %dma_start3A_453 = tpu.memref_slice %arg7[%dma_start3A_450, %dma_start3A_451, %dma_start3A_452] : memref<16x50x32xi32, #tpu.memory_space<vmem>> -> memref<1x50x32xi32, #tpu.memory_space<vmem>>
      %dma_start3A_454 = tpu.memref_squeeze %dma_start3A_453 : memref<1x50x32xi32, #tpu.memory_space<vmem>> -> memref<50x32xi32, #tpu.memory_space<vmem>>
      %dma_start3A_455 = arith.constant 0 : i32
      %dma_start3A_456 = tpu.memref_slice %arg5[%add3A_449, %dma_start3A_455] : memref<512x50xi32, #tpu.memory_space<vmem>> -> memref<1x50xi32, #tpu.memory_space<vmem>>
      %dma_start3A_457 = tpu.memref_squeeze %dma_start3A_456 : memref<1x50xi32, #tpu.memory_space<vmem>> -> memref<50xi32, #tpu.memory_space<vmem>>
      %dma_start3A_458 = arith.constant 0 : i32
      %dma_start3A_459 = arith.constant 0 : i32
      %dma_start3A_460 = tpu.memref_slice %arg3[%dma_start3A_458, %dma_start3A_459] : memref<1000000x32xi32, #tpu.memory_space<hbm>> -> memref<1000000x32xi32, #tpu.memory_space<hbm>>
      tpu.enqueue_indirect_dma source(%dma_start3A_460 : memref<1000000x32xi32, #tpu.memory_space<hbm>>) target(%dma_start3A_454 : memref<50x32xi32, #tpu.memory_space<vmem>>) offsets(%dma_start3A_457 : memref<50xi32, #tpu.memory_space<vmem>>) semaphore(%arg9 : memref<!tpu.dma_semaphore, #tpu.memory_space<semaphore_mem>>)
      %dma_wait3A_461 = arith.constant 0 : i32
      %dma_wait3A_462 = arith.constant 0 : i32
      %dma_wait3A_463 = arith.constant 0 : i32
      %dma_wait3A_464 = tpu.memref_slice %arg4[%dma_wait3A_461, %dma_wait3A_462, %dma_wait3A_463] : memref<16384x50x32xi32, #tpu.memory_space<hbm>> -> memref<16x50x32xi32, #tpu.memory_space<hbm>>
      %dma_wait3A_465 = arith.constant 0 : i32
      %dma_wait3A_466 = arith.constant 0 : i32
      %dma_wait3A_467 = arith.constant 0 : i32
      %dma_wait3A_468 = tpu.memref_slice %arg4[%dma_wait3A_465, %dma_wait3A_466, %dma_wait3A_467] : memref<16384x50x32xi32, #tpu.memory_space<hbm>> -> memref<16x50x32xi32, #tpu.memory_space<hbm>>
      tpu.wait_dma2 semaphore(%arg8 : memref<!tpu.dma_semaphore, #tpu.memory_space<semaphore_mem>>) src(%dma_wait3A_468 : memref<16x50x32xi32, #tpu.memory_space<hbm>>) dst(%arg6 : memref<16x50x32xi32, #tpu.memory_space<vmem>>)
      %mul3A_469 = arith.constant 16 : i32
      %mul3A_470 = arith.muli %mul3A_216, %mul3A_469 : i32
      %add3A_471 = arith.addi %mul3A_2, %mul3A_470 : i32
      %dma_start3A_472 = arith.constant 0 : i32
      %dma_start3A_473 = arith.constant 0 : i32
      %dma_start3A_474 = tpu.memref_slice %arg4[%add3A_471, %dma_start3A_472, %dma_start3A_473] : memref<16384x50x32xi32, #tpu.memory_space<hbm>> -> memref<16x50x32xi32, #tpu.memory_space<hbm>>
      %dma_start3A_475 = arith.constant 0 : i32
      %dma_start3A_476 = arith.constant 0 : i32
      %dma_start3A_477 = tpu.memref_slice %arg4[%add3A_471, %dma_start3A_475, %dma_start3A_476] : memref<16384x50x32xi32, #tpu.memory_space<hbm>> -> memref<16x50x32xi32, #tpu.memory_space<hbm>>
      tpu.enqueue_dma source(%arg6 : memref<16x50x32xi32, #tpu.memory_space<vmem>>) target(%dma_start3A_477 : memref<16x50x32xi32, #tpu.memory_space<hbm>>) target_semaphore(%arg10 : memref<!tpu.dma_semaphore, #tpu.memory_space<semaphore_mem>>)
      %lt3A = arith.constant 15 : i32
      %lt3A_478 = arith.cmpi slt, %scan3A_214, %lt3A : i32
      %convert_element_type3A_479 = arith.extui %lt3A_478 : i1 to i32
      %cond3A_480 = arith.constant 0 : i32
      %cond3A_481 = arith.cmpi ne, %convert_element_type3A_479, %cond3A_480 : i32
      scf.if %cond3A_481 {
        %dma_wait3A_499 = arith.constant 0 : i32
        %dma_wait3A_500 = arith.constant 0 : i32
        %dma_wait3A_501 = arith.constant 0 : i32
        %dma_wait3A_502 = tpu.memref_slice %arg4[%dma_wait3A_499, %dma_wait3A_500, %dma_wait3A_501] : memref<16384x50x32xi32, #tpu.memory_space<hbm>> -> memref<16x50x32xi32, #tpu.memory_space<hbm>>
        %dma_wait3A_503 = arith.constant 0 : i32
        %dma_wait3A_504 = arith.constant 0 : i32
        %dma_wait3A_505 = arith.constant 0 : i32
        %dma_wait3A_506 = tpu.memref_slice %arg4[%dma_wait3A_503, %dma_wait3A_504, %dma_wait3A_505] : memref<16384x50x32xi32, #tpu.memory_space<hbm>> -> memref<16x50x32xi32, #tpu.memory_space<hbm>>
        tpu.wait_dma2 semaphore(%arg10 : memref<!tpu.dma_semaphore, #tpu.memory_space<semaphore_mem>>) src(%dma_wait3A_506 : memref<16x50x32xi32, #tpu.memory_space<hbm>>) dst(%arg6 : memref<16x50x32xi32, #tpu.memory_space<vmem>>)
        %add3A_507 = arith.constant 2 : i32
        %add3A_508 = arith.addi %mul3A_216, %add3A_507 : i32
        %mul3A_509 = arith.constant 16 : i32
        %mul3A_510 = arith.muli %add3A_508, %mul3A_509 : i32
        %add3A_511 = arith.constant 0 : i32
        %add3A_512 = arith.addi %mul3A_510, %add3A_511 : i32
        %dma_start3A_513 = arith.constant 0 : i32
        %dma_start3A_514 = arith.constant 0 : i32
        %dma_start3A_515 = arith.constant 0 : i32
        %dma_start3A_516 = tpu.memref_slice %arg6[%dma_start3A_513, %dma_start3A_514, %dma_start3A_515] : memref<16x50x32xi32, #tpu.memory_space<vmem>> -> memref<1x50x32xi32, #tpu.memory_space<vmem>>
        %dma_start3A_517 = tpu.memref_squeeze %dma_start3A_516 : memref<1x50x32xi32, #tpu.memory_space<vmem>> -> memref<50x32xi32, #tpu.memory_space<vmem>>
        %dma_start3A_518 = arith.constant 0 : i32
        %dma_start3A_519 = tpu.memref_slice %arg5[%add3A_512, %dma_start3A_518] : memref<512x50xi32, #tpu.memory_space<vmem>> -> memref<1x50xi32, #tpu.memory_space<vmem>>
        %dma_start3A_520 = tpu.memref_squeeze %dma_start3A_519 : memref<1x50xi32, #tpu.memory_space<vmem>> -> memref<50xi32, #tpu.memory_space<vmem>>
        %dma_start3A_521 = arith.constant 0 : i32
        %dma_start3A_522 = arith.constant 0 : i32
        %dma_start3A_523 = tpu.memref_slice %arg3[%dma_start3A_521, %dma_start3A_522] : memref<1000000x32xi32, #tpu.memory_space<hbm>> -> memref<1000000x32xi32, #tpu.memory_space<hbm>>
        tpu.enqueue_indirect_dma source(%dma_start3A_523 : memref<1000000x32xi32, #tpu.memory_space<hbm>>) target(%dma_start3A_517 : memref<50x32xi32, #tpu.memory_space<vmem>>) offsets(%dma_start3A_520 : memref<50xi32, #tpu.memory_space<vmem>>) semaphore(%arg8 : memref<!tpu.dma_semaphore, #tpu.memory_space<semaphore_mem>>)
        %mul3A_524 = arith.constant 16 : i32
        %mul3A_525 = arith.muli %add3A_508, %mul3A_524 : i32
        %add3A_526 = arith.constant 1 : i32
        %add3A_527 = arith.addi %mul3A_525, %add3A_526 : i32
        %dma_start3A_528 = arith.constant 1 : i32
        %dma_start3A_529 = arith.constant 0 : i32
        %dma_start3A_530 = arith.constant 0 : i32
        %dma_start3A_531 = tpu.memref_slice %arg6[%dma_start3A_528, %dma_start3A_529, %dma_start3A_530] : memref<16x50x32xi32, #tpu.memory_space<vmem>> -> memref<1x50x32xi32, #tpu.memory_space<vmem>>
        %dma_start3A_532 = tpu.memref_squeeze %dma_start3A_531 : memref<1x50x32xi32, #tpu.memory_space<vmem>> -> memref<50x32xi32, #tpu.memory_space<vmem>>
        %dma_start3A_533 = arith.constant 0 : i32
        %dma_start3A_534 = tpu.memref_slice %arg5[%add3A_527, %dma_start3A_533] : memref<512x50xi32, #tpu.memory_space<vmem>> -> memref<1x50xi32, #tpu.memory_space<vmem>>
        %dma_start3A_535 = tpu.memref_squeeze %dma_start3A_534 : memref<1x50xi32, #tpu.memory_space<vmem>> -> memref<50xi32, #tpu.memory_space<vmem>>
        %dma_start3A_536 = arith.constant 0 : i32
        %dma_start3A_537 = arith.constant 0 : i32
        %dma_start3A_538 = tpu.memref_slice %arg3[%dma_start3A_536, %dma_start3A_537] : memref<1000000x32xi32, #tpu.memory_space<hbm>> -> memref<1000000x32xi32, #tpu.memory_space<hbm>>
        tpu.enqueue_indirect_dma source(%dma_start3A_538 : memref<1000000x32xi32, #tpu.memory_space<hbm>>) target(%dma_start3A_532 : memref<50x32xi32, #tpu.memory_space<vmem>>) offsets(%dma_start3A_535 : memref<50xi32, #tpu.memory_space<vmem>>) semaphore(%arg8 : memref<!tpu.dma_semaphore, #tpu.memory_space<semaphore_mem>>)
        %mul3A_539 = arith.constant 16 : i32
        %mul3A_540 = arith.muli %add3A_508, %mul3A_539 : i32
        %add3A_541 = arith.constant 2 : i32
        %add3A_542 = arith.addi %mul3A_540, %add3A_541 : i32
        %dma_start3A_543 = arith.constant 2 : i32
        %dma_start3A_544 = arith.constant 0 : i32
        %dma_start3A_545 = arith.constant 0 : i32
        %dma_start3A_546 = tpu.memref_slice %arg6[%dma_start3A_543, %dma_start3A_544, %dma_start3A_545] : memref<16x50x32xi32, #tpu.memory_space<vmem>> -> memref<1x50x32xi32, #tpu.memory_space<vmem>>
        %dma_start3A_547 = tpu.memref_squeeze %dma_start3A_546 : memref<1x50x32xi32, #tpu.memory_space<vmem>> -> memref<50x32xi32, #tpu.memory_space<vmem>>
        %dma_start3A_548 = arith.constant 0 : i32
        %dma_start3A_549 = tpu.memref_slice %arg5[%add3A_542, %dma_start3A_548] : memref<512x50xi32, #tpu.memory_space<vmem>> -> memref<1x50xi32, #tpu.memory_space<vmem>>
        %dma_start3A_550 = tpu.memref_squeeze %dma_start3A_549 : memref<1x50xi32, #tpu.memory_space<vmem>> -> memref<50xi32, #tpu.memory_space<vmem>>
        %dma_start3A_551 = arith.constant 0 : i32
        %dma_start3A_552 = arith.constant 0 : i32
        %dma_start3A_553 = tpu.memref_slice %arg3[%dma_start3A_551, %dma_start3A_552] : memref<1000000x32xi32, #tpu.memory_space<hbm>> -> memref<1000000x32xi32, #tpu.memory_space<hbm>>
        tpu.enqueue_indirect_dma source(%dma_start3A_553 : memref<1000000x32xi32, #tpu.memory_space<hbm>>) target(%dma_start3A_547 : memref<50x32xi32, #tpu.memory_space<vmem>>) offsets(%dma_start3A_550 : memref<50xi32, #tpu.memory_space<vmem>>) semaphore(%arg8 : memref<!tpu.dma_semaphore, #tpu.memory_space<semaphore_mem>>)
        %mul3A_554 = arith.constant 16 : i32
        %mul3A_555 = arith.muli %add3A_508, %mul3A_554 : i32
        %add3A_556 = arith.constant 3 : i32
        %add3A_557 = arith.addi %mul3A_555, %add3A_556 : i32
        %dma_start3A_558 = arith.constant 3 : i32
        %dma_start3A_559 = arith.constant 0 : i32
        %dma_start3A_560 = arith.constant 0 : i32
        %dma_start3A_561 = tpu.memref_slice %arg6[%dma_start3A_558, %dma_start3A_559, %dma_start3A_560] : memref<16x50x32xi32, #tpu.memory_space<vmem>> -> memref<1x50x32xi32, #tpu.memory_space<vmem>>
        %dma_start3A_562 = tpu.memref_squeeze %dma_start3A_561 : memref<1x50x32xi32, #tpu.memory_space<vmem>> -> memref<50x32xi32, #tpu.memory_space<vmem>>
        %dma_start3A_563 = arith.constant 0 : i32
        %dma_start3A_564 = tpu.memref_slice %arg5[%add3A_557, %dma_start3A_563] : memref<512x50xi32, #tpu.memory_space<vmem>> -> memref<1x50xi32, #tpu.memory_space<vmem>>
        %dma_start3A_565 = tpu.memref_squeeze %dma_start3A_564 : memref<1x50xi32, #tpu.memory_space<vmem>> -> memref<50xi32, #tpu.memory_space<vmem>>
        %dma_start3A_566 = arith.constant 0 : i32
        %dma_start3A_567 = arith.constant 0 : i32
        %dma_start3A_568 = tpu.memref_slice %arg3[%dma_start3A_566, %dma_start3A_567] : memref<1000000x32xi32, #tpu.memory_space<hbm>> -> memref<1000000x32xi32, #tpu.memory_space<hbm>>
        tpu.enqueue_indirect_dma source(%dma_start3A_568 : memref<1000000x32xi32, #tpu.memory_space<hbm>>) target(%dma_start3A_562 : memref<50x32xi32, #tpu.memory_space<vmem>>) offsets(%dma_start3A_565 : memref<50xi32, #tpu.memory_space<vmem>>) semaphore(%arg8 : memref<!tpu.dma_semaphore, #tpu.memory_space<semaphore_mem>>)
        %mul3A_569 = arith.constant 16 : i32
        %mul3A_570 = arith.muli %add3A_508, %mul3A_569 : i32
        %add3A_571 = arith.constant 4 : i32
        %add3A_572 = arith.addi %mul3A_570, %add3A_571 : i32
        %dma_start3A_573 = arith.constant 4 : i32
        %dma_start3A_574 = arith.constant 0 : i32
        %dma_start3A_575 = arith.constant 0 : i32
        %dma_start3A_576 = tpu.memref_slice %arg6[%dma_start3A_573, %dma_start3A_574, %dma_start3A_575] : memref<16x50x32xi32, #tpu.memory_space<vmem>> -> memref<1x50x32xi32, #tpu.memory_space<vmem>>
        %dma_start3A_577 = tpu.memref_squeeze %dma_start3A_576 : memref<1x50x32xi32, #tpu.memory_space<vmem>> -> memref<50x32xi32, #tpu.memory_space<vmem>>
        %dma_start3A_578 = arith.constant 0 : i32
        %dma_start3A_579 = tpu.memref_slice %arg5[%add3A_572, %dma_start3A_578] : memref<512x50xi32, #tpu.memory_space<vmem>> -> memref<1x50xi32, #tpu.memory_space<vmem>>
        %dma_start3A_580 = tpu.memref_squeeze %dma_start3A_579 : memref<1x50xi32, #tpu.memory_space<vmem>> -> memref<50xi32, #tpu.memory_space<vmem>>
        %dma_start3A_581 = arith.constant 0 : i32
        %dma_start3A_582 = arith.constant 0 : i32
        %dma_start3A_583 = tpu.memref_slice %arg3[%dma_start3A_581, %dma_start3A_582] : memref<1000000x32xi32, #tpu.memory_space<hbm>> -> memref<1000000x32xi32, #tpu.memory_space<hbm>>
        tpu.enqueue_indirect_dma source(%dma_start3A_583 : memref<1000000x32xi32, #tpu.memory_space<hbm>>) target(%dma_start3A_577 : memref<50x32xi32, #tpu.memory_space<vmem>>) offsets(%dma_start3A_580 : memref<50xi32, #tpu.memory_space<vmem>>) semaphore(%arg8 : memref<!tpu.dma_semaphore, #tpu.memory_space<semaphore_mem>>)
        %mul3A_584 = arith.constant 16 : i32
        %mul3A_585 = arith.muli %add3A_508, %mul3A_584 : i32
        %add3A_586 = arith.constant 5 : i32
        %add3A_587 = arith.addi %mul3A_585, %add3A_586 : i32
        %dma_start3A_588 = arith.constant 5 : i32
        %dma_start3A_589 = arith.constant 0 : i32
        %dma_start3A_590 = arith.constant 0 : i32
        %dma_start3A_591 = tpu.memref_slice %arg6[%dma_start3A_588, %dma_start3A_589, %dma_start3A_590] : memref<16x50x32xi32, #tpu.memory_space<vmem>> -> memref<1x50x32xi32, #tpu.memory_space<vmem>>
        %dma_start3A_592 = tpu.memref_squeeze %dma_start3A_591 : memref<1x50x32xi32, #tpu.memory_space<vmem>> -> memref<50x32xi32, #tpu.memory_space<vmem>>
        %dma_start3A_593 = arith.constant 0 : i32
        %dma_start3A_594 = tpu.memref_slice %arg5[%add3A_587, %dma_start3A_593] : memref<512x50xi32, #tpu.memory_space<vmem>> -> memref<1x50xi32, #tpu.memory_space<vmem>>
        %dma_start3A_595 = tpu.memref_squeeze %dma_start3A_594 : memref<1x50xi32, #tpu.memory_space<vmem>> -> memref<50xi32, #tpu.memory_space<vmem>>
        %dma_start3A_596 = arith.constant 0 : i32
        %dma_start3A_597 = arith.constant 0 : i32
        %dma_start3A_598 = tpu.memref_slice %arg3[%dma_start3A_596, %dma_start3A_597] : memref<1000000x32xi32, #tpu.memory_space<hbm>> -> memref<1000000x32xi32, #tpu.memory_space<hbm>>
        tpu.enqueue_indirect_dma source(%dma_start3A_598 : memref<1000000x32xi32, #tpu.memory_space<hbm>>) target(%dma_start3A_592 : memref<50x32xi32, #tpu.memory_space<vmem>>) offsets(%dma_start3A_595 : memref<50xi32, #tpu.memory_space<vmem>>) semaphore(%arg8 : memref<!tpu.dma_semaphore, #tpu.memory_space<semaphore_mem>>)
        %mul3A_599 = arith.constant 16 : i32
        %mul3A_600 = arith.muli %add3A_508, %mul3A_599 : i32
        %add3A_601 = arith.constant 6 : i32
        %add3A_602 = arith.addi %mul3A_600, %add3A_601 : i32
        %dma_start3A_603 = arith.constant 6 : i32
        %dma_start3A_604 = arith.constant 0 : i32
        %dma_start3A_605 = arith.constant 0 : i32
        %dma_start3A_606 = tpu.memref_slice %arg6[%dma_start3A_603, %dma_start3A_604, %dma_start3A_605] : memref<16x50x32xi32, #tpu.memory_space<vmem>> -> memref<1x50x32xi32, #tpu.memory_space<vmem>>
        %dma_start3A_607 = tpu.memref_squeeze %dma_start3A_606 : memref<1x50x32xi32, #tpu.memory_space<vmem>> -> memref<50x32xi32, #tpu.memory_space<vmem>>
        %dma_start3A_608 = arith.constant 0 : i32
        %dma_start3A_609 = tpu.memref_slice %arg5[%add3A_602, %dma_start3A_608] : memref<512x50xi32, #tpu.memory_space<vmem>> -> memref<1x50xi32, #tpu.memory_space<vmem>>
        %dma_start3A_610 = tpu.memref_squeeze %dma_start3A_609 : memref<1x50xi32, #tpu.memory_space<vmem>> -> memref<50xi32, #tpu.memory_space<vmem>>
        %dma_start3A_611 = arith.constant 0 : i32
        %dma_start3A_612 = arith.constant 0 : i32
        %dma_start3A_613 = tpu.memref_slice %arg3[%dma_start3A_611, %dma_start3A_612] : memref<1000000x32xi32, #tpu.memory_space<hbm>> -> memref<1000000x32xi32, #tpu.memory_space<hbm>>
        tpu.enqueue_indirect_dma source(%dma_start3A_613 : memref<1000000x32xi32, #tpu.memory_space<hbm>>) target(%dma_start3A_607 : memref<50x32xi32, #tpu.memory_space<vmem>>) offsets(%dma_start3A_610 : memref<50xi32, #tpu.memory_space<vmem>>) semaphore(%arg8 : memref<!tpu.dma_semaphore, #tpu.memory_space<semaphore_mem>>)
        %mul3A_614 = arith.constant 16 : i32
        %mul3A_615 = arith.muli %add3A_508, %mul3A_614 : i32
        %add3A_616 = arith.constant 7 : i32
        %add3A_617 = arith.addi %mul3A_615, %add3A_616 : i32
        %dma_start3A_618 = arith.constant 7 : i32
        %dma_start3A_619 = arith.constant 0 : i32
        %dma_start3A_620 = arith.constant 0 : i32
        %dma_start3A_621 = tpu.memref_slice %arg6[%dma_start3A_618, %dma_start3A_619, %dma_start3A_620] : memref<16x50x32xi32, #tpu.memory_space<vmem>> -> memref<1x50x32xi32, #tpu.memory_space<vmem>>
        %dma_start3A_622 = tpu.memref_squeeze %dma_start3A_621 : memref<1x50x32xi32, #tpu.memory_space<vmem>> -> memref<50x32xi32, #tpu.memory_space<vmem>>
        %dma_start3A_623 = arith.constant 0 : i32
        %dma_start3A_624 = tpu.memref_slice %arg5[%add3A_617, %dma_start3A_623] : memref<512x50xi32, #tpu.memory_space<vmem>> -> memref<1x50xi32, #tpu.memory_space<vmem>>
        %dma_start3A_625 = tpu.memref_squeeze %dma_start3A_624 : memref<1x50xi32, #tpu.memory_space<vmem>> -> memref<50xi32, #tpu.memory_space<vmem>>
        %dma_start3A_626 = arith.constant 0 : i32
        %dma_start3A_627 = arith.constant 0 : i32
        %dma_start3A_628 = tpu.memref_slice %arg3[%dma_start3A_626, %dma_start3A_627] : memref<1000000x32xi32, #tpu.memory_space<hbm>> -> memref<1000000x32xi32, #tpu.memory_space<hbm>>
        tpu.enqueue_indirect_dma source(%dma_start3A_628 : memref<1000000x32xi32, #tpu.memory_space<hbm>>) target(%dma_start3A_622 : memref<50x32xi32, #tpu.memory_space<vmem>>) offsets(%dma_start3A_625 : memref<50xi32, #tpu.memory_space<vmem>>) semaphore(%arg8 : memref<!tpu.dma_semaphore, #tpu.memory_space<semaphore_mem>>)
        %mul3A_629 = arith.constant 16 : i32
        %mul3A_630 = arith.muli %add3A_508, %mul3A_629 : i32
        %add3A_631 = arith.constant 8 : i32
        %add3A_632 = arith.addi %mul3A_630, %add3A_631 : i32
        %dma_start3A_633 = arith.constant 8 : i32
        %dma_start3A_634 = arith.constant 0 : i32
        %dma_start3A_635 = arith.constant 0 : i32
        %dma_start3A_636 = tpu.memref_slice %arg6[%dma_start3A_633, %dma_start3A_634, %dma_start3A_635] : memref<16x50x32xi32, #tpu.memory_space<vmem>> -> memref<1x50x32xi32, #tpu.memory_space<vmem>>
        %dma_start3A_637 = tpu.memref_squeeze %dma_start3A_636 : memref<1x50x32xi32, #tpu.memory_space<vmem>> -> memref<50x32xi32, #tpu.memory_space<vmem>>
        %dma_start3A_638 = arith.constant 0 : i32
        %dma_start3A_639 = tpu.memref_slice %arg5[%add3A_632, %dma_start3A_638] : memref<512x50xi32, #tpu.memory_space<vmem>> -> memref<1x50xi32, #tpu.memory_space<vmem>>
        %dma_start3A_640 = tpu.memref_squeeze %dma_start3A_639 : memref<1x50xi32, #tpu.memory_space<vmem>> -> memref<50xi32, #tpu.memory_space<vmem>>
        %dma_start3A_641 = arith.constant 0 : i32
        %dma_start3A_642 = arith.constant 0 : i32
        %dma_start3A_643 = tpu.memref_slice %arg3[%dma_start3A_641, %dma_start3A_642] : memref<1000000x32xi32, #tpu.memory_space<hbm>> -> memref<1000000x32xi32, #tpu.memory_space<hbm>>
        tpu.enqueue_indirect_dma source(%dma_start3A_643 : memref<1000000x32xi32, #tpu.memory_space<hbm>>) target(%dma_start3A_637 : memref<50x32xi32, #tpu.memory_space<vmem>>) offsets(%dma_start3A_640 : memref<50xi32, #tpu.memory_space<vmem>>) semaphore(%arg8 : memref<!tpu.dma_semaphore, #tpu.memory_space<semaphore_mem>>)
        %mul3A_644 = arith.constant 16 : i32
        %mul3A_645 = arith.muli %add3A_508, %mul3A_644 : i32
        %add3A_646 = arith.constant 9 : i32
        %add3A_647 = arith.addi %mul3A_645, %add3A_646 : i32
        %dma_start3A_648 = arith.constant 9 : i32
        %dma_start3A_649 = arith.constant 0 : i32
        %dma_start3A_650 = arith.constant 0 : i32
        %dma_start3A_651 = tpu.memref_slice %arg6[%dma_start3A_648, %dma_start3A_649, %dma_start3A_650] : memref<16x50x32xi32, #tpu.memory_space<vmem>> -> memref<1x50x32xi32, #tpu.memory_space<vmem>>
        %dma_start3A_652 = tpu.memref_squeeze %dma_start3A_651 : memref<1x50x32xi32, #tpu.memory_space<vmem>> -> memref<50x32xi32, #tpu.memory_space<vmem>>
        %dma_start3A_653 = arith.constant 0 : i32
        %dma_start3A_654 = tpu.memref_slice %arg5[%add3A_647, %dma_start3A_653] : memref<512x50xi32, #tpu.memory_space<vmem>> -> memref<1x50xi32, #tpu.memory_space<vmem>>
        %dma_start3A_655 = tpu.memref_squeeze %dma_start3A_654 : memref<1x50xi32, #tpu.memory_space<vmem>> -> memref<50xi32, #tpu.memory_space<vmem>>
        %dma_start3A_656 = arith.constant 0 : i32
        %dma_start3A_657 = arith.constant 0 : i32
        %dma_start3A_658 = tpu.memref_slice %arg3[%dma_start3A_656, %dma_start3A_657] : memref<1000000x32xi32, #tpu.memory_space<hbm>> -> memref<1000000x32xi32, #tpu.memory_space<hbm>>
        tpu.enqueue_indirect_dma source(%dma_start3A_658 : memref<1000000x32xi32, #tpu.memory_space<hbm>>) target(%dma_start3A_652 : memref<50x32xi32, #tpu.memory_space<vmem>>) offsets(%dma_start3A_655 : memref<50xi32, #tpu.memory_space<vmem>>) semaphore(%arg8 : memref<!tpu.dma_semaphore, #tpu.memory_space<semaphore_mem>>)
        %mul3A_659 = arith.constant 16 : i32
        %mul3A_660 = arith.muli %add3A_508, %mul3A_659 : i32
        %add3A_661 = arith.constant 10 : i32
        %add3A_662 = arith.addi %mul3A_660, %add3A_661 : i32
        %dma_start3A_663 = arith.constant 10 : i32
        %dma_start3A_664 = arith.constant 0 : i32
        %dma_start3A_665 = arith.constant 0 : i32
        %dma_start3A_666 = tpu.memref_slice %arg6[%dma_start3A_663, %dma_start3A_664, %dma_start3A_665] : memref<16x50x32xi32, #tpu.memory_space<vmem>> -> memref<1x50x32xi32, #tpu.memory_space<vmem>>
        %dma_start3A_667 = tpu.memref_squeeze %dma_start3A_666 : memref<1x50x32xi32, #tpu.memory_space<vmem>> -> memref<50x32xi32, #tpu.memory_space<vmem>>
        %dma_start3A_668 = arith.constant 0 : i32
        %dma_start3A_669 = tpu.memref_slice %arg5[%add3A_662, %dma_start3A_668] : memref<512x50xi32, #tpu.memory_space<vmem>> -> memref<1x50xi32, #tpu.memory_space<vmem>>
        %dma_start3A_670 = tpu.memref_squeeze %dma_start3A_669 : memref<1x50xi32, #tpu.memory_space<vmem>> -> memref<50xi32, #tpu.memory_space<vmem>>
        %dma_start3A_671 = arith.constant 0 : i32
        %dma_start3A_672 = arith.constant 0 : i32
        %dma_start3A_673 = tpu.memref_slice %arg3[%dma_start3A_671, %dma_start3A_672] : memref<1000000x32xi32, #tpu.memory_space<hbm>> -> memref<1000000x32xi32, #tpu.memory_space<hbm>>
        tpu.enqueue_indirect_dma source(%dma_start3A_673 : memref<1000000x32xi32, #tpu.memory_space<hbm>>) target(%dma_start3A_667 : memref<50x32xi32, #tpu.memory_space<vmem>>) offsets(%dma_start3A_670 : memref<50xi32, #tpu.memory_space<vmem>>) semaphore(%arg8 : memref<!tpu.dma_semaphore, #tpu.memory_space<semaphore_mem>>)
        %mul3A_674 = arith.constant 16 : i32
        %mul3A_675 = arith.muli %add3A_508, %mul3A_674 : i32
        %add3A_676 = arith.constant 11 : i32
        %add3A_677 = arith.addi %mul3A_675, %add3A_676 : i32
        %dma_start3A_678 = arith.constant 11 : i32
        %dma_start3A_679 = arith.constant 0 : i32
        %dma_start3A_680 = arith.constant 0 : i32
        %dma_start3A_681 = tpu.memref_slice %arg6[%dma_start3A_678, %dma_start3A_679, %dma_start3A_680] : memref<16x50x32xi32, #tpu.memory_space<vmem>> -> memref<1x50x32xi32, #tpu.memory_space<vmem>>
        %dma_start3A_682 = tpu.memref_squeeze %dma_start3A_681 : memref<1x50x32xi32, #tpu.memory_space<vmem>> -> memref<50x32xi32, #tpu.memory_space<vmem>>
        %dma_start3A_683 = arith.constant 0 : i32
        %dma_start3A_684 = tpu.memref_slice %arg5[%add3A_677, %dma_start3A_683] : memref<512x50xi32, #tpu.memory_space<vmem>> -> memref<1x50xi32, #tpu.memory_space<vmem>>
        %dma_start3A_685 = tpu.memref_squeeze %dma_start3A_684 : memref<1x50xi32, #tpu.memory_space<vmem>> -> memref<50xi32, #tpu.memory_space<vmem>>
        %dma_start3A_686 = arith.constant 0 : i32
        %dma_start3A_687 = arith.constant 0 : i32
        %dma_start3A_688 = tpu.memref_slice %arg3[%dma_start3A_686, %dma_start3A_687] : memref<1000000x32xi32, #tpu.memory_space<hbm>> -> memref<1000000x32xi32, #tpu.memory_space<hbm>>
        tpu.enqueue_indirect_dma source(%dma_start3A_688 : memref<1000000x32xi32, #tpu.memory_space<hbm>>) target(%dma_start3A_682 : memref<50x32xi32, #tpu.memory_space<vmem>>) offsets(%dma_start3A_685 : memref<50xi32, #tpu.memory_space<vmem>>) semaphore(%arg8 : memref<!tpu.dma_semaphore, #tpu.memory_space<semaphore_mem>>)
        %mul3A_689 = arith.constant 16 : i32
        %mul3A_690 = arith.muli %add3A_508, %mul3A_689 : i32
        %add3A_691 = arith.constant 12 : i32
        %add3A_692 = arith.addi %mul3A_690, %add3A_691 : i32
        %dma_start3A_693 = arith.constant 12 : i32
        %dma_start3A_694 = arith.constant 0 : i32
        %dma_start3A_695 = arith.constant 0 : i32
        %dma_start3A_696 = tpu.memref_slice %arg6[%dma_start3A_693, %dma_start3A_694, %dma_start3A_695] : memref<16x50x32xi32, #tpu.memory_space<vmem>> -> memref<1x50x32xi32, #tpu.memory_space<vmem>>
        %dma_start3A_697 = tpu.memref_squeeze %dma_start3A_696 : memref<1x50x32xi32, #tpu.memory_space<vmem>> -> memref<50x32xi32, #tpu.memory_space<vmem>>
        %dma_start3A_698 = arith.constant 0 : i32
        %dma_start3A_699 = tpu.memref_slice %arg5[%add3A_692, %dma_start3A_698] : memref<512x50xi32, #tpu.memory_space<vmem>> -> memref<1x50xi32, #tpu.memory_space<vmem>>
        %dma_start3A_700 = tpu.memref_squeeze %dma_start3A_699 : memref<1x50xi32, #tpu.memory_space<vmem>> -> memref<50xi32, #tpu.memory_space<vmem>>
        %dma_start3A_701 = arith.constant 0 : i32
        %dma_start3A_702 = arith.constant 0 : i32
        %dma_start3A_703 = tpu.memref_slice %arg3[%dma_start3A_701, %dma_start3A_702] : memref<1000000x32xi32, #tpu.memory_space<hbm>> -> memref<1000000x32xi32, #tpu.memory_space<hbm>>
        tpu.enqueue_indirect_dma source(%dma_start3A_703 : memref<1000000x32xi32, #tpu.memory_space<hbm>>) target(%dma_start3A_697 : memref<50x32xi32, #tpu.memory_space<vmem>>) offsets(%dma_start3A_700 : memref<50xi32, #tpu.memory_space<vmem>>) semaphore(%arg8 : memref<!tpu.dma_semaphore, #tpu.memory_space<semaphore_mem>>)
        %mul3A_704 = arith.constant 16 : i32
        %mul3A_705 = arith.muli %add3A_508, %mul3A_704 : i32
        %add3A_706 = arith.constant 13 : i32
        %add3A_707 = arith.addi %mul3A_705, %add3A_706 : i32
        %dma_start3A_708 = arith.constant 13 : i32
        %dma_start3A_709 = arith.constant 0 : i32
        %dma_start3A_710 = arith.constant 0 : i32
        %dma_start3A_711 = tpu.memref_slice %arg6[%dma_start3A_708, %dma_start3A_709, %dma_start3A_710] : memref<16x50x32xi32, #tpu.memory_space<vmem>> -> memref<1x50x32xi32, #tpu.memory_space<vmem>>
        %dma_start3A_712 = tpu.memref_squeeze %dma_start3A_711 : memref<1x50x32xi32, #tpu.memory_space<vmem>> -> memref<50x32xi32, #tpu.memory_space<vmem>>
        %dma_start3A_713 = arith.constant 0 : i32
        %dma_start3A_714 = tpu.memref_slice %arg5[%add3A_707, %dma_start3A_713] : memref<512x50xi32, #tpu.memory_space<vmem>> -> memref<1x50xi32, #tpu.memory_space<vmem>>
        %dma_start3A_715 = tpu.memref_squeeze %dma_start3A_714 : memref<1x50xi32, #tpu.memory_space<vmem>> -> memref<50xi32, #tpu.memory_space<vmem>>
        %dma_start3A_716 = arith.constant 0 : i32
        %dma_start3A_717 = arith.constant 0 : i32
        %dma_start3A_718 = tpu.memref_slice %arg3[%dma_start3A_716, %dma_start3A_717] : memref<1000000x32xi32, #tpu.memory_space<hbm>> -> memref<1000000x32xi32, #tpu.memory_space<hbm>>
        tpu.enqueue_indirect_dma source(%dma_start3A_718 : memref<1000000x32xi32, #tpu.memory_space<hbm>>) target(%dma_start3A_712 : memref<50x32xi32, #tpu.memory_space<vmem>>) offsets(%dma_start3A_715 : memref<50xi32, #tpu.memory_space<vmem>>) semaphore(%arg8 : memref<!tpu.dma_semaphore, #tpu.memory_space<semaphore_mem>>)
        %mul3A_719 = arith.constant 16 : i32
        %mul3A_720 = arith.muli %add3A_508, %mul3A_719 : i32
        %add3A_721 = arith.constant 14 : i32
        %add3A_722 = arith.addi %mul3A_720, %add3A_721 : i32
        %dma_start3A_723 = arith.constant 14 : i32
        %dma_start3A_724 = arith.constant 0 : i32
        %dma_start3A_725 = arith.constant 0 : i32
        %dma_start3A_726 = tpu.memref_slice %arg6[%dma_start3A_723, %dma_start3A_724, %dma_start3A_725] : memref<16x50x32xi32, #tpu.memory_space<vmem>> -> memref<1x50x32xi32, #tpu.memory_space<vmem>>
        %dma_start3A_727 = tpu.memref_squeeze %dma_start3A_726 : memref<1x50x32xi32, #tpu.memory_space<vmem>> -> memref<50x32xi32, #tpu.memory_space<vmem>>
        %dma_start3A_728 = arith.constant 0 : i32
        %dma_start3A_729 = tpu.memref_slice %arg5[%add3A_722, %dma_start3A_728] : memref<512x50xi32, #tpu.memory_space<vmem>> -> memref<1x50xi32, #tpu.memory_space<vmem>>
        %dma_start3A_730 = tpu.memref_squeeze %dma_start3A_729 : memref<1x50xi32, #tpu.memory_space<vmem>> -> memref<50xi32, #tpu.memory_space<vmem>>
        %dma_start3A_731 = arith.constant 0 : i32
        %dma_start3A_732 = arith.constant 0 : i32
        %dma_start3A_733 = tpu.memref_slice %arg3[%dma_start3A_731, %dma_start3A_732] : memref<1000000x32xi32, #tpu.memory_space<hbm>> -> memref<1000000x32xi32, #tpu.memory_space<hbm>>
        tpu.enqueue_indirect_dma source(%dma_start3A_733 : memref<1000000x32xi32, #tpu.memory_space<hbm>>) target(%dma_start3A_727 : memref<50x32xi32, #tpu.memory_space<vmem>>) offsets(%dma_start3A_730 : memref<50xi32, #tpu.memory_space<vmem>>) semaphore(%arg8 : memref<!tpu.dma_semaphore, #tpu.memory_space<semaphore_mem>>)
        %mul3A_734 = arith.constant 16 : i32
        %mul3A_735 = arith.muli %add3A_508, %mul3A_734 : i32
        %add3A_736 = arith.constant 15 : i32
        %add3A_737 = arith.addi %mul3A_735, %add3A_736 : i32
        %dma_start3A_738 = arith.constant 15 : i32
        %dma_start3A_739 = arith.constant 0 : i32
        %dma_start3A_740 = arith.constant 0 : i32
        %dma_start3A_741 = tpu.memref_slice %arg6[%dma_start3A_738, %dma_start3A_739, %dma_start3A_740] : memref<16x50x32xi32, #tpu.memory_space<vmem>> -> memref<1x50x32xi32, #tpu.memory_space<vmem>>
        %dma_start3A_742 = tpu.memref_squeeze %dma_start3A_741 : memref<1x50x32xi32, #tpu.memory_space<vmem>> -> memref<50x32xi32, #tpu.memory_space<vmem>>
        %dma_start3A_743 = arith.constant 0 : i32
        %dma_start3A_744 = tpu.memref_slice %arg5[%add3A_737, %dma_start3A_743] : memref<512x50xi32, #tpu.memory_space<vmem>> -> memref<1x50xi32, #tpu.memory_space<vmem>>
        %dma_start3A_745 = tpu.memref_squeeze %dma_start3A_744 : memref<1x50xi32, #tpu.memory_space<vmem>> -> memref<50xi32, #tpu.memory_space<vmem>>
        %dma_start3A_746 = arith.constant 0 : i32
        %dma_start3A_747 = arith.constant 0 : i32
        %dma_start3A_748 = tpu.memref_slice %arg3[%dma_start3A_746, %dma_start3A_747] : memref<1000000x32xi32, #tpu.memory_space<hbm>> -> memref<1000000x32xi32, #tpu.memory_space<hbm>>
        tpu.enqueue_indirect_dma source(%dma_start3A_748 : memref<1000000x32xi32, #tpu.memory_space<hbm>>) target(%dma_start3A_742 : memref<50x32xi32, #tpu.memory_space<vmem>>) offsets(%dma_start3A_745 : memref<50xi32, #tpu.memory_space<vmem>>) semaphore(%arg8 : memref<!tpu.dma_semaphore, #tpu.memory_space<semaphore_mem>>)
      } else {
      }
      %dma_wait3A_482 = arith.constant 0 : i32
      %dma_wait3A_483 = arith.constant 0 : i32
      %dma_wait3A_484 = arith.constant 0 : i32
      %dma_wait3A_485 = tpu.memref_slice %arg4[%dma_wait3A_482, %dma_wait3A_483, %dma_wait3A_484] : memref<16384x50x32xi32, #tpu.memory_space<hbm>> -> memref<16x50x32xi32, #tpu.memory_space<hbm>>
      %dma_wait3A_486 = arith.constant 0 : i32
      %dma_wait3A_487 = arith.constant 0 : i32
      %dma_wait3A_488 = arith.constant 0 : i32
      %dma_wait3A_489 = tpu.memref_slice %arg4[%dma_wait3A_486, %dma_wait3A_487, %dma_wait3A_488] : memref<16384x50x32xi32, #tpu.memory_space<hbm>> -> memref<16x50x32xi32, #tpu.memory_space<hbm>>
      tpu.wait_dma2 semaphore(%arg9 : memref<!tpu.dma_semaphore, #tpu.memory_space<semaphore_mem>>) src(%dma_wait3A_489 : memref<16x50x32xi32, #tpu.memory_space<hbm>>) dst(%arg7 : memref<16x50x32xi32, #tpu.memory_space<vmem>>)
      %mul3A_490 = arith.constant 16 : i32
      %mul3A_491 = arith.muli %add3A_218, %mul3A_490 : i32
      %add3A_492 = arith.addi %mul3A_2, %mul3A_491 : i32
      %dma_start3A_493 = arith.constant 0 : i32
      %dma_start3A_494 = arith.constant 0 : i32
      %dma_start3A_495 = tpu.memref_slice %arg4[%add3A_492, %dma_start3A_493, %dma_start3A_494] : memref<16384x50x32xi32, #tpu.memory_space<hbm>> -> memref<16x50x32xi32, #tpu.memory_space<hbm>>
      %dma_start3A_496 = arith.constant 0 : i32
      %dma_start3A_497 = arith.constant 0 : i32
      %dma_start3A_498 = tpu.memref_slice %arg4[%add3A_492, %dma_start3A_496, %dma_start3A_497] : memref<16384x50x32xi32, #tpu.memory_space<hbm>> -> memref<16x50x32xi32, #tpu.memory_space<hbm>>
      tpu.enqueue_dma source(%arg7 : memref<16x50x32xi32, #tpu.memory_space<vmem>>) target(%dma_start3A_498 : memref<16x50x32xi32, #tpu.memory_space<hbm>>) target_semaphore(%arg11 : memref<!tpu.dma_semaphore, #tpu.memory_space<semaphore_mem>>)
    }
    %scan3A_198 = arith.constant 16 : i32
    %dma_wait3A = arith.constant 0 : i32
    %dma_wait3A_199 = arith.constant 0 : i32
    %dma_wait3A_200 = arith.constant 0 : i32
    %dma_wait3A_201 = tpu.memref_slice %arg4[%dma_wait3A, %dma_wait3A_199, %dma_wait3A_200] : memref<16384x50x32xi32, #tpu.memory_space<hbm>> -> memref<16x50x32xi32, #tpu.memory_space<hbm>>
    %dma_wait3A_202 = arith.constant 0 : i32
    %dma_wait3A_203 = arith.constant 0 : i32
    %dma_wait3A_204 = arith.constant 0 : i32
    %dma_wait3A_205 = tpu.memref_slice %arg4[%dma_wait3A_202, %dma_wait3A_203, %dma_wait3A_204] : memref<16384x50x32xi32, #tpu.memory_space<hbm>> -> memref<16x50x32xi32, #tpu.memory_space<hbm>>
    tpu.wait_dma2 semaphore(%arg10 : memref<!tpu.dma_semaphore, #tpu.memory_space<semaphore_mem>>) src(%dma_wait3A_205 : memref<16x50x32xi32, #tpu.memory_space<hbm>>) dst(%arg6 : memref<16x50x32xi32, #tpu.memory_space<vmem>>)
    %dma_wait3A_206 = arith.constant 0 : i32
    %dma_wait3A_207 = arith.constant 0 : i32
    %dma_wait3A_208 = arith.constant 0 : i32
    %dma_wait3A_209 = tpu.memref_slice %arg4[%dma_wait3A_206, %dma_wait3A_207, %dma_wait3A_208] : memref<16384x50x32xi32, #tpu.memory_space<hbm>> -> memref<16x50x32xi32, #tpu.memory_space<hbm>>
    %dma_wait3A_210 = arith.constant 0 : i32
    %dma_wait3A_211 = arith.constant 0 : i32
    %dma_wait3A_212 = arith.constant 0 : i32
    %dma_wait3A_213 = tpu.memref_slice %arg4[%dma_wait3A_210, %dma_wait3A_211, %dma_wait3A_212] : memref<16384x50x32xi32, #tpu.memory_space<hbm>> -> memref<16x50x32xi32, #tpu.memory_space<hbm>>
    tpu.wait_dma2 semaphore(%arg11 : memref<!tpu.dma_semaphore, #tpu.memory_space<semaphore_mem>>) src(%dma_wait3A_213 : memref<16x50x32xi32, #tpu.memory_space<hbm>>) dst(%arg7 : memref<16x50x32xi32, #tpu.memory_space<vmem>>)
    return
  }
}

</mosaic_0001>

<sc_bundles>
// kernel: kernel.3.cloned.1.call-start
scs
__scs_entry_jumppad:
0x0: {  	(pc) =	sbr.rel $0x88, $3  }
0x1: {  	(tag) =	ssettag $0x0;
	lr =	simm.s32 $0x1  }
0x2: {  	[smem:$0x3F9F] =	sst lr;
	_ =	strace $0xD0000000  }
0x3: {  	_ = 	snop  }
0x4: {  	_ = 	snop  }
0x5: {  	_ = 	snop  }
0x6: {  	_ = 	snop  }
0x7: {  	_ = 	snop  }
__scs_overlays_trampoline_lowered:
0x8: {  	[smem:$0x3FAE] =	sst s0  }
0x9: {  	[smem:$0x3FAF] =	sst s1  }
0xa: {  	[smem:$0x3FB0] =	sst s2  }
0xb: {  	[smem:$0x3FB1] =	sst s3  }
0xc: {  	[smem:$0x3FB2] =	sst s4  }
0xd: {  	[smem:$0x3FB3] =	sst s5  }
0xe: {  	[smem:$0x3FB4] =	sst s6  }
0xf: {  	[smem:$0x3FB5] =	sst s7  }
0x10: {  	[smem:$0x3FB6] =	sst s8  }
0x11: {  	[smem:$0x3FB7] =	sst s9;
	s0 =	simm.s32 @!p0 $0x0  }
0x12: {  	s1 =	sld [smem:$0x3F9D];
	s0 =	simm.s32 @p0 $0x1  }
0x13: {  	[smem:$0x3FB8] =	sst s0;
	s0 =	simm.s32 @!p1 $0x0  }
0x14: {  	s2 =	sld [smem:$0x3F9C];
	s0 =	simm.s32 @p1 $0x1  }
0x15: {  	[smem:$0x3FB9] =	sst s0;
	s0 =	simm.s32 @!p2 $0x0  }
0x16: {  	s3 =	sld [smem:$0x3FDB];
	s0 =	simm.s32 @p2 $0x1  }
0x17: {  	s4 =	simm.s32 $0x1BF5;
	[smem:$0x3FBB] =	sst s0  }
0x18: {  	s0 =	sld [smem:$0x3F9E];
	_ =	swait.ge [sflag:s4], $0x0  }
0x19: {  	s7 =	sld [smem:$0x3F9F]  }
0x1a: {  	s8 =	sadd.s32 $0xFFFFE003, lr  }
0x1b: {  	s9 =	sadd.s32 $0xFFFFFEF7, lr;
	s5 =	simm.s32 $0xFFFFFFFF;
	p2 =	slt.u32 s8, $0xFFFFF086  }
0x1c: {  	p1 =	slt.u32 s9, $0xF7A;
	s5 =	simm.s32 @!p2 $0x0  }
0x1d: {  	s5 =	simm.s32 @p1 $0x1;
	p0 =	seq.s32 s7, s2  }
0x1e: {  	s7 =	smul.u32 @!p0 $0xF7A, s2;
	p2 =	seq.s32 @!p0 s5, $0x0  }
0x1f: {  	s9 =	smul.u32 $0xF7A, s1;
	s8 =	simm.s32 @!p0 $0x1BF5;
	p2 =	por !p2, p0  }
0x20: {  	[sflag:s8] =	ssyncset.s32 @!p0 $0xFFFFF086;
	s6 =	sadd.s32 @!p0 s3, s7;
	s7 =	simm.s32 @!p0 $0x108  }
0x21: {  	s3 =	sadd.s32 s3, s9;
	s6 =	sadd.s32 @!p0 $0x88, s6;
	s7 =	simm.s32 @p2 $0x1082  }
0x22: {  	[simem:s7], [sflag:s8] =	dma.local @!p0 [hbm:s6], $0xF7A  }
0x23: {  	s9 =	sor.u32 $0xD0000000, s2;
	s6 =	simm.s32 $0x108;
	_ =	swait.ge @!p0 [sflag:s8], $0x0  }
0x24: {  	s3 =	sadd.s32 $0x88, s3;
	s6 =	simm.s32 @!p1 $0x1082;
	[sflag:s4] =	ssyncset.s32 $0xFFFFF086  }
0x25: {  	[simem:s6], [sflag:s4] =	dma.local [hbm:s3], $0xF7A  }
0x26: {  	[smem:$0x3F9F] =	sst s1;
	(tag) =	ssettag s2;
	_ =	strace s9  }
0x27: {  	s1 =	sld [smem:$0x3FAF]  }
0x28: {  	s2 =	sld [smem:$0x3FB0]  }
0x29: {  	s4 =	sld [smem:$0x3FB2]  }
0x2a: {  	p0 =	seq.s32 s5, $0x0;
	s5 =	sld [smem:$0x3FB3]  }
0x2b: {  	s6 =	sld [smem:$0x3FB4]  }
0x2c: {  	s7 =	sld [smem:$0x3FB5]  }
0x2d: {  	s3 =	simm.s32 $0x108;
	s8 =	sld [smem:$0x3FB6]  }
0x2e: {  	s3 =	simm.s32 @!p0 $0x1082;
	s9 =	sld [smem:$0x3FB7]  }
0x2f: {  	lr =	sadd.s32 s0, s3;
	s0 =	sld [smem:$0x3FAE]  }
0x30: {  	s3 =	sld [smem:$0x3FB1]  }
0x31: {  	[smem:$0x3FBA] =	sst s10  }
0x32: {  	s10 =	sld [smem:$0x3FB8];
	_ =	sdelay $0x3  }
0x33: {  	p0 =	seq.s32 s10, $0x1;
	s10 =	sld [smem:$0x3FBA];
	_ =	sdelay $0x3  }
0x34: {  	[smem:$0x3FBA] =	sst s10  }
0x35: {  	s10 =	sld [smem:$0x3FB9];
	_ =	sdelay $0x3  }
0x36: {  	p1 =	seq.s32 s10, $0x1;
	s10 =	sld [smem:$0x3FBA];
	_ =	sdelay $0x3  }
0x37: {  	[smem:$0x3FBA] =	sst s10  }
0x38: {  	s10 =	sld [smem:$0x3FBB]  }
0x39: {  	_ = 	snop;
	(pc) =	sbr.ind lr, $3  }
0x3a: {  	_ = 	snop  }
0x3b: {  	_ = 	snop  }
0x3c: {  	p2 =	seq.s32 s10, $0x1;
	s10 =	sld [smem:$0x3FBA]  }
0x3d: {  	_ =	shalt  }
0x3e: {  	_ =	shalt  }
0x3f: {  	_ =	shalt  }
0x40: {  	_ =	shalt  }
0x41: {  	_ =	shalt  }
0x42: {  	_ =	shalt  }
0x43: {  	_ =	shalt  }
0x44: {  	_ =	shalt  }
0x45: {  	_ =	shalt  }
0x46: {  	_ =	shalt  }
0x47: {  	_ =	shalt  }
0x48: {  	_ =	shalt  }
0x49: {  	_ =	shalt  }
0x4a: {  	_ =	shalt  }
0x4b: {  	_ =	shalt  }
0x4c: {  	_ =	shalt  }
0x4d: {  	_ =	shalt  }
0x4e: {  	_ =	shalt  }
0x4f: {  	_ =	shalt  }
0x50: {  	_ =	shalt  }
0x51: {  	_ =	shalt  }
0x52: {  	_ =	shalt  }
0x53: {  	_ =	shalt  }
0x54: {  	_ =	shalt  }
0x55: {  	_ =	shalt  }
0x56: {  	_ =	shalt  }
0x57: {  	_ =	shalt  }
0x58: {  	_ =	shalt  }
0x59: {  	_ =	shalt  }
0x5a: {  	_ =	shalt  }
0x5b: {  	_ =	shalt  }
0x5c: {  	_ =	shalt  }
0x5d: {  	_ =	shalt  }
0x5e: {  	_ =	shalt  }
0x5f: {  	_ =	shalt  }
0x60: {  	_ =	shalt  }
0x61: {  	_ =	shalt  }
0x62: {  	_ =	shalt  }
0x63: {  	_ =	shalt  }
0x64: {  	_ =	shalt  }
0x65: {  	_ =	shalt  }
0x66: {  	_ =	shalt  }
0x67: {  	_ =	shalt  }
0x68: {  	_ =	shalt  }
0x69: {  	_ =	shalt  }
0x6a: {  	_ =	shalt  }
0x6b: {  	_ =	shalt  }
0x6c: {  	_ =	shalt  }
0x6d: {  	_ =	shalt  }
0x6e: {  	_ =	shalt  }
0x6f: {  	_ =	shalt  }
0x70: {  	_ =	shalt  }
0x71: {  	_ =	shalt  }
0x72: {  	_ =	shalt  }
0x73: {  	_ =	shalt  }
0x74: {  	_ =	shalt  }
0x75: {  	_ =	shalt  }
0x76: {  	_ =	shalt  }
0x77: {  	_ =	shalt  }
0x78: {  	_ =	shalt  }
0x79: {  	_ =	shalt  }
0x7a: {  	_ =	shalt  }
0x7b: {  	_ =	shalt  }
0x7c: {  	_ =	shalt  }
0x7d: {  	_ =	shalt  }
0x7e: {  	_ =	shalt  }
0x7f: {  	_ =	shalt  }
0x80: {  	_ =	shalt  }
0x81: {  	_ =	shalt  }
0x82: {  	_ =	shalt  }
0x83: {  	_ =	shalt  }
0x84: {  	_ =	shalt  }
0x85: {  	_ =	shalt  }
0x86: {  	_ =	shalt  }
0x87: {  	_ =	shalt  }
.Lfunc_end0:
.L_simem_size_0:
called_computation.1_lowered:
.L_overlay_start_0:
0x88: {  	s2 =	sld [smem:$0x3FD9]  }
0x89: {  	s3 =	sld [smem:$0x3FFE];
	_ =	sdelay $0x1  }
0x8a: {  	s1 =	srdreg.scid  }
0x8b: {  	s0 =	sand.u32 $0x1, s1  }
0x8c: {  	s17 =	sshll.u32 s0, $0xA;
	s2 =	sadd.s32 s3, s2  }
0x8d: {  	s2 =	sadd.s32 s2, s17  }
0x8e: {  	[smem:$0x3FC6] =	sst s2  }
0x8f: {  	_ = 	snop  }
0x90: {  	s2 =	sld [smem:$0x3FD0];
	(tm) =	ssettm $0x1  }
0x91: {  	s18 =	sld [smem:$0x3FFB];
	_ =	sdelay $0x3  }
0x92: {  	_ =	strace s18  }
0x93: {  	s3 =	sld [smem:$0x3FFC];
	_ =	sdelay $0x3  }
0x94: {  	_ =	strace s3  }
0x95: {  	s3 =	sld [smem:$0x3FFD];
	_ =	sdelay $0x3  }
0x96: {  	_ =	strace s3  }
0x97: {  	_ =	strace $0x8FFFFFFF  }
0x98: {  	s19 =	sld [smem:$0x3FDB];
	_ =	sdelay $0x1  }
0x99: {  	s4 =	simm.s32 $_scs_section_size  }
0x9a: {  	s5 =	simm.s32 $_size__tile_overlayer_lowered;
	s6 =	simm.s32 $_tile_overlayer_lowered  }
0x9b: {  	s22 =	simm.s32 $0x1BFF;
	s21 =	sshll.u32 s6, $0x1;
	s3 =	sadd.s32 s4, s19  }
0x9c: {  	s7 =	simm.s32 $0x0;
	s20 =	sshll.u32 s5, $0x1;
	s5 =	sadd.s32 s21, s3  }
0x9d: {  	[timem:s7], [sflag:s22] =	dma.local [hbm:s5], s20  }
0x9e: {  	_ =	swait.ge [sflag:s22], s20  }
0x9f: {  	s4 =	ssub.s32 $0x0, s20;
	[sflag:s22] =	ssyncset.done $0x0  }
0xa0: {  	[sflag:s22] =	ssyncadd.s32 s4;
	_ =	sdelay $0x1  }
0xa1: {  	s23 =	simm.s32 $0x1B8B  }
0xa2: {  	_ =	swait.ge [sflag:s23], $0x1  }
0xa3: {  	[sflag:s23] =	ssyncset.done $0x0  }
0xa4: {  	s25 =	simm.s32 $0x1B8E;
	s24 =	sld [smem:$0x3FFE];
	[sflag:s23] =	ssyncadd.s32 $0xFFFFFFFF  }
0xa5: {  	s26 =	simm.s32 $execute0_lowered;
	[smem:$0x3FD2] =	sst s25  }
0xa6: {  	s5 =	sshll.u32 s26, $0x1;
	_ =	strace $0x80000046;
	[dreg:$0x1] =	wrdreg $0xFFFFFFFF  }
0xa7: {  	s28 =	simm.s32 $_size_execute0_lowered;
	s3 =	sadd.s32 s3, s5;
	[dreg:$0x0] =	wrdreg $0x0  }
0xa8: {  	s5 =	sshll.u32 s28, $0x1;
	[dreg:$0x2] =	wrdreg s3  }
0xa9: {  	[dreg:$0x3] =	wrdreg s5  }
0xaa: {  	[dreg:$0x4] =	wrdreg $0xC0  }
0xab: {  	_ =	task [dreg:s7], $0x5FFFF  }
0xac: {  	[dreg:$0x1] =	wrdreg $0xFFFFFFFF  }
0xad: {  	[dreg:$0x0] =	wrdreg $0x60  }
0xae: {  	[dreg:$0x2] =	wrdreg s24  }
0xaf: {  	[dreg:$0x3] =	wrdreg s2  }
0xb0: {  	[dreg:$0x4] =	wrdreg $0x9  }
0xb1: {  	_ =	task.clear_ibuf [dreg:s7], $0x5FFFF;
	_ =	strace $0x90000046  }
0xb2: {  	s29 =	simm.s32 $0x9;
	_ =	strace $0x80000048  }
0xb3: {  	_ =	swait.ge [sflag:s29], $0x1  }
0xb4: {  	[sflag:s29] =	ssyncadd.s32 $0xFFFFFFFF  }
0xb5: {  	_ =	strace $0x90000048  }
0xb6: {  	_ =	sfence  }
0xb7: {  	s30 =	sld [smem:$0x0];
	_ =	sdelay $0x2  }
0xb8: {  	s31 =	sshll.u32 s1, $0xD;
	s1 =	sshrl.u32 s1, $0x2  }
0xb9: {  	s3 =	sand.u32 $0x4000, s31;
	s1 =	sadd.s32 s1, s30  }
0xba: {  	s0 =	sor.u32 s3, s0;
	s1 =	sshll.u32 s1, $0x11  }
0xbb: {  	s0 =	sor.u32 s1, s0  }
0xbc: {  	s0 =	sadd.s32 $0x8F2B, s0  }
0xbd: {  	[sflag:s0] =	ssyncadd.remote.s32 $0x1  }
0xbe: {  	_ =	sfence.sel $0xFFFF  }
0xbf: {  	[dreg:$0x0] =	wrdreg $0xFFFFFFFF;
	(pc) =	sbr.abs _section_cstart, $3  }
0xc0: {  	[dreg:$0x1] =	wrdreg $0xFFFFFFFF  }
0xc1: {  	_ =	task.clear_ibuf [dreg:s7], $0x2FFFF;
	_ =	strace $0x9FFFFFFF  }
0xc2: {  	(tm) =	ssettm $0x7FFFFFFF  }
0xc3: {  	_ =	shalt  }
tec
execute0_lowered:
.L_overlay_start_1:
0x0: {  	(tag) =	ssettag $0x1  }
0x1: {  	s0 =	srdreg.scid  }
0x2: {  	s1 =	rddreg [dreg:$0x0];
	s9 =	stileid.u32  }
0x3: {  	s4 =	rddreg [dreg:$0x1];
	s2 =	simm.s32 $0x0;
	s12 =	simm.s32 $0x32  }
0x4: {  	s13 =	simm.s32 $0x7000;
	s18 =	simm.s32 $0x7640;
	s16 =	simm.s32 $0x8900  }
0x5: {  	s31 =	simm.s32 $0x8F40;
	s29 =	simm.s32 $0x9580;
	s20 =	simm.s32 $0x9BC0  }
0x6: {  	s11 =	simm.s32 $0xC780;
	s10 =	simm.s32 $0xCDC0;
	s28 =	simm.s32 $0x2  }
0x7: {  	s30 =	simm.s32 $0x4;
	s0 =	sand.u32 $0x1, s0;
	s3 =	sshll.u32 s9, $0xA  }
0x8: {  	[smem:$0x7FF] =	sst s2;
	s9 =	smul.u32 $0x32000, s9;
	s5 =	sshll.u32 s0, $0x9  }
0x9: {  	s6 =	ssub.s32 $0x2, s0;
	s0 =	smul.u32 $0x19000, s0;
	s3 =	sor.u32 s5, s3  }
0xa: {  	s21 =	simm.s32 $0xE6C0;
	_ =	strace $0x80000047;
	s5 =	smul.u32 $0x7, s3  }
0xb: {  	s8 =	sshrl.u32 s6, $0x1;
	s7 =	smul.u32 $0xC8, s3;
	s3 =	sadd.s32 $0xF42E00, s1  }
0xc: {  	s22 =	ssub.s32 s6, s8;
	s6 =	simm.s32 $0xA840;
	s8 =	simm.s32 $0xB4C0  }
0xd: {  	s5 =	sadd.s32 s5, s1;
	s23 =	sadd.s32 s4, s7;
	s1 =	smax.u32 s22, $0x1  }
0xe: {  	s4 =	sadd.s32 s9, s4;
	s22 =	simm.s32 $0x7C80;
	[dreg:$0x5] =	wrdreg s1  }
0xf: {  	s7 =	simm.s32 $0xAE80;
	s5 =	sadd.s32 $0xA00, s5;
	[dreg:$0x4] =	wrdreg s23  }
0x10: {  	s9 =	simm.s32 $0xBB00;
	s24 =	sadd.s32 $0xC80, s23;
	[dreg:$0x3] =	wrdreg s5  }
0x11: {  	s0 =	sadd.s32 s0, s4;
	s25 =	sadd.s32 $0x17700, s23;
	[dreg:$0x6] =	wrdreg s24  }
0x12: {  	s26 =	sadd.s32 $0x18380, s23;
	s4 =	simm.s32 $0xA200;
	[dreg:$0x7] =	wrdreg s25  }
0x13: {  	s23 =	simm.s32 $0x1;
	[dreg:$0x8] =	wrdreg s26;
	s0 =	sadd.s32 $0x1900, s0  }
0x14: {  	s26 =	simm.s32 $0x82C0;
	s5 =	simm.s32 $0xC140;
	s24 =	simm.s32 $0xD400  }
0x15: {  	s25 =	simm.s32 $0x3;
	[dreg:$0x9] =	wrdreg s0;
	s0 =	simm.s32 $0x0  }
.LBB2_1:
0x16: {  	[dreg:$0xa] =	wrdreg s0  }
0x17: {  	s1 =	rddreg [dreg:$0x3];
	s15 =	simm.s32 $0x5  }
0x18: {  	[tilespmem:s2], [sflag:$0x5] =	stream.linear.gather [hbm4b:s1+s2], $0x7000, $0x38;
	[tilespmem:$0x13800] =	vst v63  }
0x19: {  	_ =	swait.ge [sflag:s15], $0x7000  }
0x1a: {  	[sflag:s15] =	ssyncset.done $0x0  }
0x1b: {  	[sflag:s15] =	ssyncadd.s32 $0xFFFF9000  }
0x1c: {  	[tilespmem:s13], [sflag:$0x1] =	stream.indirect.gather [hbm4b:s3+s12], $0x20, s2, s12, $0xb8;
	[tilespmem:$0x13800] =	vst v63  }
0x1d: {  	s17 =	simm.s32 $0x38  }
0x1e: {  	[tilespmem:s18], [sflag:$0x1] =	stream.indirect.gather [hbm4b:s3+s12], $0x20, s17, s12, $0xb8;
	[tilespmem:$0x13800] =	vst v63  }
0x1f: {  	s19 =	simm.s32 $0x70  }
0x20: {  	[tilespmem:s22], [sflag:$0x1] =	stream.indirect.gather [hbm4b:s3+s12], $0x20, s19, s12, $0xb8;
	[tilespmem:$0x13800] =	vst v63  }
0x21: {  	s0 =	simm.s32 $0xA8  }
0x22: {  	[tilespmem:s26], [sflag:$0x1] =	stream.indirect.gather [hbm4b:s3+s12], $0x20, s0, s12, $0xb8;
	[tilespmem:$0x13800] =	vst v63  }
0x23: {  	s14 =	simm.s32 $0xE0  }
0x24: {  	[tilespmem:s16], [sflag:$0x1] =	stream.indirect.gather [hbm4b:s3+s12], $0x20, s14, s12, $0xb8;
	[tilespmem:$0x13800] =	vst v63  }
0x25: {  	s15 =	simm.s32 $0x118  }
0x26: {  	[tilespmem:s31], [sflag:$0x1] =	stream.indirect.gather [hbm4b:s3+s12], $0x20, s15, s12, $0xb8;
	[tilespmem:$0x13800] =	vst v63  }
0x27: {  	s17 =	simm.s32 $0x150  }
0x28: {  	[tilespmem:s29], [sflag:$0x1] =	stream.indirect.gather [hbm4b:s3+s12], $0x20, s17, s12, $0xb8;
	[tilespmem:$0x13800] =	vst v63  }
0x29: {  	s19 =	simm.s32 $0x188  }
0x2a: {  	[tilespmem:s20], [sflag:$0x1] =	stream.indirect.gather [hbm4b:s3+s12], $0x20, s19, s12, $0xb8;
	[tilespmem:$0x13800] =	vst v63  }
0x2b: {  	s1 =	simm.s32 $0x1C0  }
0x2c: {  	[tilespmem:s4], [sflag:$0x1] =	stream.indirect.gather [hbm4b:s3+s12], $0x20, s1, s12, $0xb8;
	[tilespmem:$0x13800] =	vst v63  }
0x2d: {  	s14 =	simm.s32 $0x1F8  }
0x2e: {  	[tilespmem:s6], [sflag:$0x1] =	stream.indirect.gather [hbm4b:s3+s12], $0x20, s14, s12, $0xb8;
	[tilespmem:$0x13800] =	vst v63  }
0x2f: {  	s15 =	simm.s32 $0x230  }
0x30: {  	[tilespmem:s7], [sflag:$0x1] =	stream.indirect.gather [hbm4b:s3+s12], $0x20, s15, s12, $0xb8;
	[tilespmem:$0x13800] =	vst v63  }
0x31: {  	s17 =	simm.s32 $0x268  }
0x32: {  	[tilespmem:s8], [sflag:$0x1] =	stream.indirect.gather [hbm4b:s3+s12], $0x20, s17, s12, $0xb8;
	[tilespmem:$0x13800] =	vst v63  }
0x33: {  	s19 =	simm.s32 $0x2A0  }
0x34: {  	[tilespmem:s9], [sflag:$0x1] =	stream.indirect.gather [hbm4b:s3+s12], $0x20, s19, s12, $0xb8;
	[tilespmem:$0x13800] =	vst v63  }
0x35: {  	s1 =	simm.s32 $0x2D8  }
0x36: {  	[tilespmem:s5], [sflag:$0x1] =	stream.indirect.gather [hbm4b:s3+s12], $0x20, s1, s12, $0xb8;
	[tilespmem:$0x13800] =	vst v63  }
0x37: {  	s14 =	simm.s32 $0x310  }
0x38: {  	[tilespmem:s11], [sflag:$0x1] =	stream.indirect.gather [hbm4b:s3+s12], $0x20, s14, s12, $0xb8;
	[tilespmem:$0x13800] =	vst v63  }
0x39: {  	s15 =	simm.s32 $0x348  }
0x3a: {  	[tilespmem:s10], [sflag:$0x1] =	stream.indirect.gather [hbm4b:s3+s12], $0x20, s15, s12, $0xb8;
	[tilespmem:$0x13800] =	vst v63  }
0x3b: {  	s17 =	simm.s32 $0x380  }
0x3c: {  	[tilespmem:s24], [sflag:$0x2] =	stream.indirect.gather [hbm4b:s3+s12], $0x20, s17, s12, $0xb8;
	[tilespmem:$0x13800] =	vst v63  }
0x3d: {  	s19 =	simm.s32 $0x3B8;
	s14 =	simm.s32 $0xDA40  }
0x3e: {  	[tilespmem:s14], [sflag:$0x2] =	stream.indirect.gather [hbm4b:s3+s12], $0x20, s19, s12, $0xb8;
	[tilespmem:$0x13800] =	vst v63  }
0x3f: {  	s1 =	simm.s32 $0x3F0;
	s15 =	simm.s32 $0xE080  }
0x40: {  	[tilespmem:s15], [sflag:$0x2] =	stream.indirect.gather [hbm4b:s3+s12], $0x20, s1, s12, $0xb8;
	[tilespmem:$0x13800] =	vst v63  }
0x41: {  	s17 =	simm.s32 $0x428;
	s19 =	simm.s32 $0xE6C0  }
0x42: {  	[tilespmem:s19], [sflag:$0x2] =	stream.indirect.gather [hbm4b:s3+s12], $0x20, s17, s12, $0xb8;
	[tilespmem:$0x13800] =	vst v63  }
0x43: {  	s0 =	simm.s32 $0xED00;
	s17 =	simm.s32 $0x460  }
0x44: {  	[tilespmem:s0], [sflag:$0x2] =	stream.indirect.gather [hbm4b:s3+s12], $0x20, s17, s12, $0xb8;
	[tilespmem:$0x13800] =	vst v63  }
0x45: {  	s19 =	simm.s32 $0x498;
	s17 =	simm.s32 $0xF340  }
0x46: {  	[tilespmem:s17], [sflag:$0x2] =	stream.indirect.gather [hbm4b:s3+s12], $0x20, s19, s12, $0xb8;
	[tilespmem:$0x13800] =	vst v63  }
0x47: {  	s1 =	simm.s32 $0x4D0;
	s19 =	simm.s32 $0xF980  }
0x48: {  	[tilespmem:s19], [sflag:$0x2] =	stream.indirect.gather [hbm4b:s3+s12], $0x20, s1, s12, $0xb8;
	[tilespmem:$0x13800] =	vst v63  }
0x49: {  	s19 =	simm.s32 $0xFFC0;
	s1 =	simm.s32 $0x508  }
0x4a: {  	[tilespmem:s19], [sflag:$0x2] =	stream.indirect.gather [hbm4b:s3+s12], $0x20, s1, s12, $0xb8;
	[tilespmem:$0x13800] =	vst v63  }
0x4b: {  	s19 =	simm.s32 $0x10600;
	s1 =	simm.s32 $0x540  }
0x4c: {  	[tilespmem:s19], [sflag:$0x2] =	stream.indirect.gather [hbm4b:s3+s12], $0x20, s1, s12, $0xb8;
	[tilespmem:$0x13800] =	vst v63  }
0x4d: {  	s19 =	simm.s32 $0x10C40;
	s1 =	simm.s32 $0x578  }
0x4e: {  	[tilespmem:s19], [sflag:$0x2] =	stream.indirect.gather [hbm4b:s3+s12], $0x20, s1, s12, $0xb8;
	[tilespmem:$0x13800] =	vst v63  }
0x4f: {  	s19 =	simm.s32 $0x11280;
	s1 =	simm.s32 $0x5B0  }
0x50: {  	[tilespmem:s19], [sflag:$0x2] =	stream.indirect.gather [hbm4b:s3+s12], $0x20, s1, s12, $0xb8;
	[tilespmem:$0x13800] =	vst v63  }
0x51: {  	s19 =	simm.s32 $0x118C0;
	s1 =	simm.s32 $0x5E8  }
0x52: {  	[tilespmem:s19], [sflag:$0x2] =	stream.indirect.gather [hbm4b:s3+s12], $0x20, s1, s12, $0xb8;
	[tilespmem:$0x13800] =	vst v63  }
0x53: {  	s19 =	simm.s32 $0x11F00;
	s1 =	simm.s32 $0x620  }
0x54: {  	[tilespmem:s19], [sflag:$0x2] =	stream.indirect.gather [hbm4b:s3+s12], $0x20, s1, s12, $0xb8;
	[tilespmem:$0x13800] =	vst v63  }
0x55: {  	s19 =	simm.s32 $0x12540;
	s1 =	simm.s32 $0x658  }
0x56: {  	[tilespmem:s19], [sflag:$0x2] =	stream.indirect.gather [hbm4b:s3+s12], $0x20, s1, s12, $0xb8;
	[tilespmem:$0x13800] =	vst v63  }
0x57: {  	s19 =	simm.s32 $0x12B80;
	s1 =	simm.s32 $0x690  }
0x58: {  	[tilespmem:s19], [sflag:$0x2] =	stream.indirect.gather [hbm4b:s3+s12], $0x20, s1, s12, $0xb8;
	[tilespmem:$0x13800] =	vst v63  }
0x59: {  	s19 =	simm.s32 $0x131C0;
	s1 =	simm.s32 $0x6C8  }
0x5a: {  	[tilespmem:s19], [sflag:$0x2] =	stream.indirect.gather [hbm4b:s3+s12], $0x20, s1, s12, $0xb8;
	[tilespmem:$0x13800] =	vst v63  }
0x5b: {  	_ =	swait.ge [sflag:s23], $0x6400  }
0x5c: {  	[sflag:s23] =	ssyncset.done $0x0  }
0x5d: {  	s19 =	rddreg [dreg:$0x4];
	[sflag:s23] =	ssyncadd.s32 $0xFFFF9C00  }
0x5e: {  	[hbm4b:s19+s2] =	stream.linear.scatter [tilespmem:s13], [sflag:$0x3], $0x6400, $0x38;
	[tilespmem:$0x13800] =	vst v63  }
0x5f: {  	_ =	swait.ge [sflag:s25], $0x6400  }
0x60: {  	[sflag:s25] =	ssyncset.done $0x0  }
0x61: {  	s19 =	simm.s32 $0x700;
	[sflag:s25] =	ssyncadd.s32 $0xFFFF9C00  }
0x62: {  	[tilespmem:s13], [sflag:$0x1] =	stream.indirect.gather [hbm4b:s3+s12], $0x20, s19, s12, $0xb8;
	[tilespmem:$0x13800] =	vst v63  }
0x63: {  	s19 =	simm.s32 $0x738  }
0x64: {  	[tilespmem:s18], [sflag:$0x1] =	stream.indirect.gather [hbm4b:s3+s12], $0x20, s19, s12, $0xb8;
	[tilespmem:$0x13800] =	vst v63  }
0x65: {  	s19 =	simm.s32 $0x770  }
0x66: {  	[tilespmem:s22], [sflag:$0x1] =	stream.indirect.gather [hbm4b:s3+s12], $0x20, s19, s12, $0xb8;
	[tilespmem:$0x13800] =	vst v63  }
0x67: {  	s19 =	simm.s32 $0x7A8  }
0x68: {  	[tilespmem:s26], [sflag:$0x1] =	stream.indirect.gather [hbm4b:s3+s12], $0x20, s19, s12, $0xb8;
	[tilespmem:$0x13800] =	vst v63  }
0x69: {  	s19 =	simm.s32 $0x7E0  }
0x6a: {  	[tilespmem:s16], [sflag:$0x1] =	stream.indirect.gather [hbm4b:s3+s12], $0x20, s19, s12, $0xb8;
	[tilespmem:$0x13800] =	vst v63  }
0x6b: {  	s19 =	simm.s32 $0x818  }
0x6c: {  	[tilespmem:s31], [sflag:$0x1] =	stream.indirect.gather [hbm4b:s3+s12], $0x20, s19, s12, $0xb8;
	[tilespmem:$0x13800] =	vst v63  }
0x6d: {  	s19 =	simm.s32 $0x850  }
0x6e: {  	[tilespmem:s29], [sflag:$0x1] =	stream.indirect.gather [hbm4b:s3+s12], $0x20, s19, s12, $0xb8;
	[tilespmem:$0x13800] =	vst v63  }
0x6f: {  	s19 =	simm.s32 $0x888  }
0x70: {  	[tilespmem:s20], [sflag:$0x1] =	stream.indirect.gather [hbm4b:s3+s12], $0x20, s19, s12, $0xb8;
	[tilespmem:$0x13800] =	vst v63  }
0x71: {  	s19 =	simm.s32 $0x8C0  }
0x72: {  	[tilespmem:s4], [sflag:$0x1] =	stream.indirect.gather [hbm4b:s3+s12], $0x20, s19, s12, $0xb8;
	[tilespmem:$0x13800] =	vst v63  }
0x73: {  	s19 =	simm.s32 $0x8F8  }
0x74: {  	[tilespmem:s6], [sflag:$0x1] =	stream.indirect.gather [hbm4b:s3+s12], $0x20, s19, s12, $0xb8;
	[tilespmem:$0x13800] =	vst v63  }
0x75: {  	s19 =	simm.s32 $0x930  }
0x76: {  	[tilespmem:s7], [sflag:$0x1] =	stream.indirect.gather [hbm4b:s3+s12], $0x20, s19, s12, $0xb8;
	[tilespmem:$0x13800] =	vst v63  }
0x77: {  	s19 =	simm.s32 $0x968  }
0x78: {  	[tilespmem:s8], [sflag:$0x1] =	stream.indirect.gather [hbm4b:s3+s12], $0x20, s19, s12, $0xb8;
	[tilespmem:$0x13800] =	vst v63  }
0x79: {  	s19 =	simm.s32 $0x9A0  }
0x7a: {  	[tilespmem:s9], [sflag:$0x1] =	stream.indirect.gather [hbm4b:s3+s12], $0x20, s19, s12, $0xb8;
	[tilespmem:$0x13800] =	vst v63  }
0x7b: {  	s19 =	simm.s32 $0x9D8  }
0x7c: {  	[tilespmem:s5], [sflag:$0x1] =	stream.indirect.gather [hbm4b:s3+s12], $0x20, s19, s12, $0xb8;
	[tilespmem:$0x13800] =	vst v63  }
0x7d: {  	s19 =	simm.s32 $0xA10  }
0x7e: {  	[tilespmem:s11], [sflag:$0x1] =	stream.indirect.gather [hbm4b:s3+s12], $0x20, s19, s12, $0xb8;
	[tilespmem:$0x13800] =	vst v63  }
0x7f: {  	s19 =	simm.s32 $0xA48  }
0x80: {  	[tilespmem:s10], [sflag:$0x1] =	stream.indirect.gather [hbm4b:s3+s12], $0x20, s19, s12, $0xb8;
	[tilespmem:$0x13800] =	vst v63  }
0x81: {  	_ =	swait.ge [sflag:s28], $0x6400  }
0x82: {  	[sflag:s28] =	ssyncset.done $0x0  }
0x83: {  	s19 =	rddreg [dreg:$0x6];
	[sflag:s28] =	ssyncadd.s32 $0xFFFF9C00  }
0x84: {  	[hbm4b:s19+s2] =	stream.linear.scatter [tilespmem:s24], [sflag:$0x4], $0x6400, $0x38;
	[tilespmem:$0x13800] =	vst v63  }
0x85: {  	_ =	swait.ge [sflag:s30], $0x6400  }
0x86: {  	[sflag:s30] =	ssyncset.done $0x0  }
0x87: {  	s19 =	simm.s32 $0xA80;
	[sflag:s30] =	ssyncadd.s32 $0xFFFF9C00  }
0x88: {  	[tilespmem:s24], [sflag:$0x2] =	stream.indirect.gather [hbm4b:s3+s12], $0x20, s19, s12, $0xb8;
	[tilespmem:$0x13800] =	vst v63  }
0x89: {  	s19 =	simm.s32 $0xAB8  }
0x8a: {  	[tilespmem:s14], [sflag:$0x2] =	stream.indirect.gather [hbm4b:s3+s12], $0x20, s19, s12, $0xb8;
	[tilespmem:$0x13800] =	vst v63  }
0x8b: {  	s14 =	simm.s32 $0xAF0  }
0x8c: {  	[tilespmem:s15], [sflag:$0x2] =	stream.indirect.gather [hbm4b:s3+s12], $0x20, s14, s12, $0xb8;
	[tilespmem:$0x13800] =	vst v63  }
0x8d: {  	s14 =	simm.s32 $0xB28;
	s15 =	simm.s32 $0xE6C0  }
0x8e: {  	[tilespmem:s15], [sflag:$0x2] =	stream.indirect.gather [hbm4b:s3+s12], $0x20, s14, s12, $0xb8;
	[tilespmem:$0x13800] =	vst v63  }
0x8f: {  	s15 =	simm.s32 $0xB60  }
0x90: {  	[tilespmem:s0], [sflag:$0x2] =	stream.indirect.gather [hbm4b:s3+s12], $0x20, s15, s12, $0xb8;
	[tilespmem:$0x13800] =	vst v63  }
0x91: {  	s14 =	simm.s32 $0xB98  }
0x92: {  	[tilespmem:s17], [sflag:$0x2] =	stream.indirect.gather [hbm4b:s3+s12], $0x20, s14, s12, $0xb8;
	[tilespmem:$0x13800] =	vst v63  }
0x93: {  	s15 =	simm.s32 $0xBD0;
	s17 =	simm.s32 $0xF980  }
0x94: {  	[tilespmem:s17], [sflag:$0x2] =	stream.indirect.gather [hbm4b:s3+s12], $0x20, s15, s12, $0xb8;
	[tilespmem:$0x13800] =	vst v63  }
0x95: {  	s0 =	simm.s32 $0xC08;
	s14 =	simm.s32 $0xFFC0  }
0x96: {  	[tilespmem:s14], [sflag:$0x2] =	stream.indirect.gather [hbm4b:s3+s12], $0x20, s0, s12, $0xb8;
	[tilespmem:$0x13800] =	vst v63  }
0x97: {  	s15 =	simm.s32 $0xC40;
	s17 =	simm.s32 $0x10600  }
0x98: {  	[tilespmem:s17], [sflag:$0x2] =	stream.indirect.gather [hbm4b:s3+s12], $0x20, s15, s12, $0xb8;
	[tilespmem:$0x13800] =	vst v63  }
0x99: {  	s0 =	simm.s32 $0xC78;
	s14 =	simm.s32 $0x10C40  }
0x9a: {  	[tilespmem:s14], [sflag:$0x2] =	stream.indirect.gather [hbm4b:s3+s12], $0x20, s0, s12, $0xb8;
	[tilespmem:$0x13800] =	vst v63  }
0x9b: {  	s15 =	simm.s32 $0xCB0;
	s17 =	simm.s32 $0x11280  }
0x9c: {  	[tilespmem:s17], [sflag:$0x2] =	stream.indirect.gather [hbm4b:s3+s12], $0x20, s15, s12, $0xb8;
	[tilespmem:$0x13800] =	vst v63  }
0x9d: {  	s0 =	simm.s32 $0xCE8;
	s14 =	simm.s32 $0x118C0  }
0x9e: {  	[tilespmem:s14], [sflag:$0x2] =	stream.indirect.gather [hbm4b:s3+s12], $0x20, s0, s12, $0xb8;
	[tilespmem:$0x13800] =	vst v63  }
0x9f: {  	s15 =	simm.s32 $0xD20;
	s17 =	simm.s32 $0x11F00  }
0xa0: {  	[tilespmem:s17], [sflag:$0x2] =	stream.indirect.gather [hbm4b:s3+s12], $0x20, s15, s12, $0xb8;
	[tilespmem:$0x13800] =	vst v63  }
0xa1: {  	s0 =	simm.s32 $0xD58;
	s14 =	simm.s32 $0x12540  }
0xa2: {  	[tilespmem:s14], [sflag:$0x2] =	stream.indirect.gather [hbm4b:s3+s12], $0x20, s0, s12, $0xb8;
	[tilespmem:$0x13800] =	vst v63  }
0xa3: {  	s15 =	simm.s32 $0xD90;
	s17 =	simm.s32 $0x12B80  }
0xa4: {  	[tilespmem:s17], [sflag:$0x2] =	stream.indirect.gather [hbm4b:s3+s12], $0x20, s15, s12, $0xb8;
	[tilespmem:$0x13800] =	vst v63  }
0xa5: {  	s0 =	simm.s32 $0xDC8;
	s14 =	simm.s32 $0x131C0  }
0xa6: {  	[tilespmem:s14], [sflag:$0x2] =	stream.indirect.gather [hbm4b:s3+s12], $0x20, s0, s12, $0xb8;
	[tilespmem:$0x13800] =	vst v63  }
0xa7: {  	_ =	swait.ge [sflag:s23], $0x6400  }
0xa8: {  	[sflag:s23] =	ssyncset.done $0x0  }
0xa9: {  	s14 =	rddreg [dreg:$0x9];
	[sflag:s23] =	ssyncadd.s32 $0xFFFF9C00  }
0xaa: {  	[hbm4b:s14+s2] =	stream.linear.scatter [tilespmem:s13], [sflag:$0x3], $0x6400, $0x38;
	[tilespmem:$0x13800] =	vst v63  }
0xab: {  	_ =	swait.ge [sflag:s25], $0x6400  }
0xac: {  	[sflag:s25] =	ssyncset.done $0x0  }
0xad: {  	s15 =	simm.s32 $0xE00;
	[sflag:s25] =	ssyncadd.s32 $0xFFFF9C00  }
0xae: {  	[tilespmem:s13], [sflag:$0x1] =	stream.indirect.gather [hbm4b:s3+s12], $0x20, s15, s12, $0xb8;
	[tilespmem:$0x13800] =	vst v63  }
0xaf: {  	s17 =	simm.s32 $0xE38  }
0xb0: {  	[tilespmem:s18], [sflag:$0x1] =	stream.indirect.gather [hbm4b:s3+s12], $0x20, s17, s12, $0xb8;
	[tilespmem:$0x13800] =	vst v63  }
0xb1: {  	s0 =	simm.s32 $0xE70  }
0xb2: {  	[tilespmem:s22], [sflag:$0x1] =	stream.indirect.gather [hbm4b:s3+s12], $0x20, s0, s12, $0xb8;
	[tilespmem:$0x13800] =	vst v63  }
0xb3: {  	s15 =	simm.s32 $0xEA8  }
0xb4: {  	[tilespmem:s26], [sflag:$0x1] =	stream.indirect.gather [hbm4b:s3+s12], $0x20, s15, s12, $0xb8;
	[tilespmem:$0x13800] =	vst v63  }
0xb5: {  	s17 =	simm.s32 $0xEE0  }
0xb6: {  	[tilespmem:s16], [sflag:$0x1] =	stream.indirect.gather [hbm4b:s3+s12], $0x20, s17, s12, $0xb8;
	[tilespmem:$0x13800] =	vst v63  }
0xb7: {  	s18 =	simm.s32 $0xF18  }
0xb8: {  	[tilespmem:s31], [sflag:$0x1] =	stream.indirect.gather [hbm4b:s3+s12], $0x20, s18, s12, $0xb8;
	[tilespmem:$0x13800] =	vst v63  }
0xb9: {  	s22 =	simm.s32 $0xF50  }
0xba: {  	[tilespmem:s29], [sflag:$0x1] =	stream.indirect.gather [hbm4b:s3+s12], $0x20, s22, s12, $0xb8;
	[tilespmem:$0x13800] =	vst v63  }
0xbb: {  	s26 =	simm.s32 $0xF88  }
0xbc: {  	[tilespmem:s20], [sflag:$0x1] =	stream.indirect.gather [hbm4b:s3+s12], $0x20, s26, s12, $0xb8;
	[tilespmem:$0x13800] =	vst v63  }
0xbd: {  	s0 =	simm.s32 $0xFC0  }
0xbe: {  	[tilespmem:s4], [sflag:$0x1] =	stream.indirect.gather [hbm4b:s3+s12], $0x20, s0, s12, $0xb8;
	[tilespmem:$0x13800] =	vst v63  }
0xbf: {  	s1 =	simm.s32 $0x1C00;
	s15 =	simm.s32 $0xFF8  }
0xc0: {  	[tilespmem:s6], [sflag:$0x1] =	stream.indirect.gather [hbm4b:s3+s12], $0x20, s15, s12, $0xb8;
	[tilespmem:$0x13800] =	vst v63  }
0xc1: {  	s19 =	simm.s32 $0xE080;
	s16 =	simm.s32 $0x1030;
	s17 =	simm.s32 $0x1068  }
0xc2: {  	[tilespmem:s7], [sflag:$0x1] =	stream.indirect.gather [hbm4b:s3+s12], $0x20, s16, s12, $0xb8;
	[tilespmem:$0x13800] =	vst v63  }
0xc3: {  	s18 =	simm.s32 $0x10A0;
	s31 =	simm.s32 $0x7C80;
	s22 =	simm.s32 $0x1110  }
0xc4: {  	[tilespmem:s8], [sflag:$0x1] =	stream.indirect.gather [hbm4b:s3+s12], $0x20, s17, s12, $0xb8;
	[tilespmem:$0x13800] =	vst v63  }
0xc5: {  	s29 =	simm.s32 $0x8F40;
	s20 =	simm.s32 $0x10D8;
	s26 =	simm.s32 $0x1148  }
0xc6: {  	[tilespmem:s9], [sflag:$0x1] =	stream.indirect.gather [hbm4b:s3+s12], $0x20, s18, s12, $0xb8;
	[tilespmem:$0x13800] =	vst v63  }
0xc7: {  	s0 =	simm.s32 $0x8900;
	s4 =	simm.s32 $0x9BC0;
	s15 =	simm.s32 $0xCDC0  }
0xc8: {  	[tilespmem:s5], [sflag:$0x1] =	stream.indirect.gather [hbm4b:s3+s12], $0x20, s20, s12, $0xb8;
	[tilespmem:$0x13800] =	vst v63  }
0xc9: {  	s6 =	simm.s32 $0xA200;
	s16 =	simm.s32 $0x82C0;
	s7 =	simm.s32 $0xA840  }
0xca: {  	[tilespmem:s11], [sflag:$0x1] =	stream.indirect.gather [hbm4b:s3+s12], $0x20, s22, s12, $0xb8;
	[tilespmem:$0x13800] =	vst v63  }
0xcb: {  	s8 =	simm.s32 $0xAE80;
	s18 =	sadd.s32 $0xC80, s14;
	s14 =	sadd.s32 $0x1900, s14  }
0xcc: {  	[tilespmem:s10], [sflag:$0x1] =	stream.indirect.gather [hbm4b:s3+s12], $0x20, s26, s12, $0xb8;
	[tilespmem:$0x13800] =	vst v63  }
0xcd: {  	s9 =	simm.s32 $0xB4C0;
	s5 =	simm.s32 $0xBB00;
	_ =	swait.ge [sflag:s28], $0x6400  }
0xce: {  	s20 =	simm.s32 $0x9580;
	s11 =	simm.s32 $0xC140;
	[sflag:s28] =	ssyncset.done $0x0  }
0xcf: {  	s26 =	simm.s32 $0x7640;
	s10 =	simm.s32 $0xC780;
	[sflag:s28] =	ssyncadd.s32 $0xFFFF9C00  }
.LBB2_2:
0xd0: {  	[hbm4b:s18+s2] =	stream.linear.scatter [tilespmem:s24], [sflag:$0x4], $0x6400, $0x38;
	[tilespmem:$0x13800] =	vst v63  }
0xd1: {  	s18 =	smov.u32 s1;
	s1 =	sadd.s32 $0x1C00, s1;
	_ =	swait.ge [sflag:s30], $0x6400  }
0xd2: {  	s18 =	sshra.s32 s18, $0x2;
	p0 =	sne.s32 s1, $0x18800;
	[sflag:s30] =	ssyncset.done $0x0  }
0xd3: {  	s22 =	sadd.s32 $0xA80, s18;
	[sflag:s30] =	ssyncadd.s32 $0xFFFF9C00  }
0xd4: {  	[tilespmem:s24], [sflag:$0x2] =	stream.indirect.gather [hbm4b:s3+s12], $0x20, s22, s12, $0xb8;
	[tilespmem:$0x13800] =	vst v63  }
0xd5: {  	s17 =	simm.s32 $0xDA40;
	s22 =	sadd.s32 $0xAB8, s18  }
0xd6: {  	[tilespmem:s17], [sflag:$0x2] =	stream.indirect.gather [hbm4b:s3+s12], $0x20, s22, s12, $0xb8;
	[tilespmem:$0x13800] =	vst v63  }
0xd7: {  	s22 =	sadd.s32 $0xAF0, s18  }
0xd8: {  	[tilespmem:s19], [sflag:$0x2] =	stream.indirect.gather [hbm4b:s3+s12], $0x20, s22, s12, $0xb8;
	[tilespmem:$0x13800] =	vst v63  }
0xd9: {  	s22 =	sadd.s32 $0xB28, s18  }
0xda: {  	[tilespmem:s21], [sflag:$0x2] =	stream.indirect.gather [hbm4b:s3+s12], $0x20, s22, s12, $0xb8;
	[tilespmem:$0x13800] =	vst v63  }
0xdb: {  	s17 =	simm.s32 $0xED00;
	s22 =	sadd.s32 $0xB60, s18  }
0xdc: {  	[tilespmem:s17], [sflag:$0x2] =	stream.indirect.gather [hbm4b:s3+s12], $0x20, s22, s12, $0xb8;
	[tilespmem:$0x13800] =	vst v63  }
0xdd: {  	s22 =	sadd.s32 $0xB98, s18;
	s17 =	simm.s32 $0xF340  }
0xde: {  	[tilespmem:s17], [sflag:$0x2] =	stream.indirect.gather [hbm4b:s3+s12], $0x20, s22, s12, $0xb8;
	[tilespmem:$0x13800] =	vst v63  }
0xdf: {  	s22 =	sadd.s32 $0xBD0, s18;
	s17 =	simm.s32 $0xF980  }
0xe0: {  	[tilespmem:s17], [sflag:$0x2] =	stream.indirect.gather [hbm4b:s3+s12], $0x20, s22, s12, $0xb8;
	[tilespmem:$0x13800] =	vst v63  }
0xe1: {  	s22 =	sadd.s32 $0xC08, s18;
	s17 =	simm.s32 $0xFFC0  }
0xe2: {  	[tilespmem:s17], [sflag:$0x2] =	stream.indirect.gather [hbm4b:s3+s12], $0x20, s22, s12, $0xb8;
	[tilespmem:$0x13800] =	vst v63  }
0xe3: {  	s22 =	sadd.s32 $0xC40, s18;
	s17 =	simm.s32 $0x10600  }
0xe4: {  	[tilespmem:s17], [sflag:$0x2] =	stream.indirect.gather [hbm4b:s3+s12], $0x20, s22, s12, $0xb8;
	[tilespmem:$0x13800] =	vst v63  }
0xe5: {  	s22 =	sadd.s32 $0xC78, s18;
	s17 =	simm.s32 $0x10C40  }
0xe6: {  	[tilespmem:s17], [sflag:$0x2] =	stream.indirect.gather [hbm4b:s3+s12], $0x20, s22, s12, $0xb8;
	[tilespmem:$0x13800] =	vst v63  }
0xe7: {  	s22 =	sadd.s32 $0xCB0, s18;
	s17 =	simm.s32 $0x11280  }
0xe8: {  	[tilespmem:s17], [sflag:$0x2] =	stream.indirect.gather [hbm4b:s3+s12], $0x20, s22, s12, $0xb8;
	[tilespmem:$0x13800] =	vst v63  }
0xe9: {  	s22 =	sadd.s32 $0xCE8, s18;
	s17 =	simm.s32 $0x118C0  }
0xea: {  	[tilespmem:s17], [sflag:$0x2] =	stream.indirect.gather [hbm4b:s3+s12], $0x20, s22, s12, $0xb8;
	[tilespmem:$0x13800] =	vst v63  }
0xeb: {  	s22 =	sadd.s32 $0xD20, s18;
	s17 =	simm.s32 $0x11F00  }
0xec: {  	[tilespmem:s17], [sflag:$0x2] =	stream.indirect.gather [hbm4b:s3+s12], $0x20, s22, s12, $0xb8;
	[tilespmem:$0x13800] =	vst v63  }
0xed: {  	s22 =	sadd.s32 $0xD58, s18;
	s17 =	simm.s32 $0x12540  }
0xee: {  	[tilespmem:s17], [sflag:$0x2] =	stream.indirect.gather [hbm4b:s3+s12], $0x20, s22, s12, $0xb8;
	[tilespmem:$0x13800] =	vst v63  }
0xef: {  	s22 =	sadd.s32 $0xD90, s18;
	s17 =	simm.s32 $0x12B80  }
0xf0: {  	[tilespmem:s17], [sflag:$0x2] =	stream.indirect.gather [hbm4b:s3+s12], $0x20, s22, s12, $0xb8;
	[tilespmem:$0x13800] =	vst v63  }
0xf1: {  	s22 =	sadd.s32 $0xDC8, s18;
	s17 =	simm.s32 $0x131C0  }
0xf2: {  	[tilespmem:s17], [sflag:$0x2] =	stream.indirect.gather [hbm4b:s3+s12], $0x20, s22, s12, $0xb8;
	[tilespmem:$0x13800] =	vst v63  }
0xf3: {  	_ =	swait.ge [sflag:s23], $0x6400  }
0xf4: {  	[sflag:s23] =	ssyncset.done $0x0  }
0xf5: {  	[sflag:s23] =	ssyncadd.s32 $0xFFFF9C00  }
0xf6: {  	[hbm4b:s14+s2] =	stream.linear.scatter [tilespmem:s13], [sflag:$0x3], $0x6400, $0x38;
	[tilespmem:$0x13800] =	vst v63  }
0xf7: {  	_ =	swait.ge [sflag:s25], $0x6400  }
0xf8: {  	[sflag:s25] =	ssyncset.done $0x0  }
0xf9: {  	s22 =	sadd.s32 $0xE00, s18;
	[sflag:s25] =	ssyncadd.s32 $0xFFFF9C00  }
0xfa: {  	[tilespmem:s13], [sflag:$0x1] =	stream.indirect.gather [hbm4b:s3+s12], $0x20, s22, s12, $0xb8;
	[tilespmem:$0x13800] =	vst v63  }
0xfb: {  	s22 =	sadd.s32 $0xE38, s18  }
0xfc: {  	[tilespmem:s26], [sflag:$0x1] =	stream.indirect.gather [hbm4b:s3+s12], $0x20, s22, s12, $0xb8;
	[tilespmem:$0x13800] =	vst v63  }
0xfd: {  	s22 =	sadd.s32 $0xE70, s18  }
0xfe: {  	[tilespmem:s31], [sflag:$0x1] =	stream.indirect.gather [hbm4b:s3+s12], $0x20, s22, s12, $0xb8;
	[tilespmem:$0x13800] =	vst v63  }
0xff: {  	s22 =	sadd.s32 $0xEA8, s18  }
0x100: {  	[tilespmem:s16], [sflag:$0x1] =	stream.indirect.gather [hbm4b:s3+s12], $0x20, s22, s12, $0xb8;
	[tilespmem:$0x13800] =	vst v63  }
0x101: {  	s22 =	sadd.s32 $0xEE0, s18  }
0x102: {  	[tilespmem:s0], [sflag:$0x1] =	stream.indirect.gather [hbm4b:s3+s12], $0x20, s22, s12, $0xb8;
	[tilespmem:$0x13800] =	vst v63  }
0x103: {  	s22 =	sadd.s32 $0xF18, s18  }
0x104: {  	[tilespmem:s29], [sflag:$0x1] =	stream.indirect.gather [hbm4b:s3+s12], $0x20, s22, s12, $0xb8;
	[tilespmem:$0x13800] =	vst v63  }
0x105: {  	s22 =	sadd.s32 $0xF50, s18  }
0x106: {  	[tilespmem:s20], [sflag:$0x1] =	stream.indirect.gather [hbm4b:s3+s12], $0x20, s22, s12, $0xb8;
	[tilespmem:$0x13800] =	vst v63  }
0x107: {  	s22 =	sadd.s32 $0xF88, s18  }
0x108: {  	[tilespmem:s4], [sflag:$0x1] =	stream.indirect.gather [hbm4b:s3+s12], $0x20, s22, s12, $0xb8;
	[tilespmem:$0x13800] =	vst v63  }
0x109: {  	s22 =	sadd.s32 $0xFC0, s18  }
0x10a: {  	[tilespmem:s6], [sflag:$0x1] =	stream.indirect.gather [hbm4b:s3+s12], $0x20, s22, s12, $0xb8;
	[tilespmem:$0x13800] =	vst v63  }
0x10b: {  	s22 =	sadd.s32 $0xFF8, s18  }
0x10c: {  	[tilespmem:s7], [sflag:$0x1] =	stream.indirect.gather [hbm4b:s3+s12], $0x20, s22, s12, $0xb8;
	[tilespmem:$0x13800] =	vst v63  }
0x10d: {  	s22 =	sadd.s32 $0x1030, s18  }
0x10e: {  	[tilespmem:s8], [sflag:$0x1] =	stream.indirect.gather [hbm4b:s3+s12], $0x20, s22, s12, $0xb8;
	[tilespmem:$0x13800] =	vst v63  }
0x10f: {  	s22 =	sadd.s32 $0x1068, s18  }
0x110: {  	[tilespmem:s9], [sflag:$0x1] =	stream.indirect.gather [hbm4b:s3+s12], $0x20, s22, s12, $0xb8;
	[tilespmem:$0x13800] =	vst v63  }
0x111: {  	s22 =	sadd.s32 $0x10A0, s18  }
0x112: {  	[tilespmem:s5], [sflag:$0x1] =	stream.indirect.gather [hbm4b:s3+s12], $0x20, s22, s12, $0xb8;
	[tilespmem:$0x13800] =	vst v63  }
0x113: {  	s22 =	sadd.s32 $0x10D8, s18  }
0x114: {  	[tilespmem:s11], [sflag:$0x1] =	stream.indirect.gather [hbm4b:s3+s12], $0x20, s22, s12, $0xb8;
	[tilespmem:$0x13800] =	vst v63  }
0x115: {  	s22 =	sadd.s32 $0x1110, s18  }
0x116: {  	[tilespmem:s10], [sflag:$0x1] =	stream.indirect.gather [hbm4b:s3+s12], $0x20, s22, s12, $0xb8;
	[tilespmem:$0x13800] =	vst v63  }
.Ltmp0:
0x117: {  	s18 =	sadd.s32 $0x1148, s18;
	(pc) =	sbr.rel @p0 .LBB2_2-.Ltmp0, $4  }
0x118: {  	[tilespmem:s15], [sflag:$0x1] =	stream.indirect.gather [hbm4b:s3+s12], $0x20, s18, s12, $0xb8;
	[tilespmem:$0x13800] =	vst v63  }
0x119: {  	_ =	swait.ge [sflag:s28], $0x6400  }
0x11a: {  	[sflag:s28] =	ssyncset.done $0x0  }
0x11b: {  	s18 =	sadd.s32 $0xC80, s14;
	s14 =	sadd.s32 $0x1900, s14;
	[sflag:s28] =	ssyncadd.s32 $0xFFFF9C00  }
0x11c: {  	[hbm4b:s18+s2] =	stream.linear.scatter [tilespmem:s24], [sflag:$0x4], $0x6400, $0x38;
	[tilespmem:$0x13800] =	vst v63  }
0x11d: {  	_ =	swait.ge [sflag:s30], $0x6400  }
0x11e: {  	[sflag:s30] =	ssyncset.done $0x0  }
0x11f: {  	s0 =	simm.s32 $0x6C80;
	s1 =	sshra.s32 s1, $0x2;
	[sflag:s30] =	ssyncadd.s32 $0xFFFF9C00  }
0x120: {  	[tilespmem:s24], [sflag:$0x2] =	stream.indirect.gather [hbm4b:s3+s12], $0x20, s0, s12, $0xb8;
	[tilespmem:$0x13800] =	vst v63  }
0x121: {  	s7 =	simm.s32 $0xDA40;
	s14 =	sadd.s32 $0xAB8, s1  }
0x122: {  	[tilespmem:s7], [sflag:$0x2] =	stream.indirect.gather [hbm4b:s3+s12], $0x20, s14, s12, $0xb8;
	[tilespmem:$0x13800] =	vst v63  }
0x123: {  	s8 =	sadd.s32 $0xAF0, s1  }
0x124: {  	[tilespmem:s19], [sflag:$0x2] =	stream.indirect.gather [hbm4b:s3+s12], $0x20, s8, s12, $0xb8;
	[tilespmem:$0x13800] =	vst v63  }
0x125: {  	s9 =	sadd.s32 $0xB28, s1  }
0x126: {  	[tilespmem:s21], [sflag:$0x2] =	stream.indirect.gather [hbm4b:s3+s12], $0x20, s9, s12, $0xb8;
	[tilespmem:$0x13800] =	vst v63  }
0x127: {  	s11 =	simm.s32 $0xED00;
	s10 =	sadd.s32 $0xB60, s1  }
0x128: {  	[tilespmem:s11], [sflag:$0x2] =	stream.indirect.gather [hbm4b:s3+s12], $0x20, s10, s12, $0xb8;
	[tilespmem:$0x13800] =	vst v63  }
0x129: {  	s16 =	simm.s32 $0xF340;
	s15 =	sadd.s32 $0xB98, s1  }
0x12a: {  	[tilespmem:s16], [sflag:$0x2] =	stream.indirect.gather [hbm4b:s3+s12], $0x20, s15, s12, $0xb8;
	[tilespmem:$0x13800] =	vst v63  }
0x12b: {  	s18 =	simm.s32 $0xF980;
	s17 =	sadd.s32 $0xBD0, s1  }
0x12c: {  	[tilespmem:s18], [sflag:$0x2] =	stream.indirect.gather [hbm4b:s3+s12], $0x20, s17, s12, $0xb8;
	[tilespmem:$0x13800] =	vst v63  }
0x12d: {  	s20 =	simm.s32 $0xFFC0;
	s19 =	sadd.s32 $0xC08, s1  }
0x12e: {  	[tilespmem:s20], [sflag:$0x2] =	stream.indirect.gather [hbm4b:s3+s12], $0x20, s19, s12, $0xb8;
	[tilespmem:$0x13800] =	vst v63  }
0x12f: {  	s26 =	simm.s32 $0x10600;
	s22 =	sadd.s32 $0xC40, s1  }
0x130: {  	[tilespmem:s26], [sflag:$0x2] =	stream.indirect.gather [hbm4b:s3+s12], $0x20, s22, s12, $0xb8;
	[tilespmem:$0x13800] =	vst v63  }
0x131: {  	s4 =	simm.s32 $0x10C40;
	s0 =	sadd.s32 $0xC78, s1  }
0x132: {  	[tilespmem:s4], [sflag:$0x2] =	stream.indirect.gather [hbm4b:s3+s12], $0x20, s0, s12, $0xb8;
	[tilespmem:$0x13800] =	vst v63  }
0x133: {  	s6 =	simm.s32 $0x11280;
	s5 =	sadd.s32 $0xCB0, s1  }
0x134: {  	[tilespmem:s6], [sflag:$0x2] =	stream.indirect.gather [hbm4b:s3+s12], $0x20, s5, s12, $0xb8;
	[tilespmem:$0x13800] =	vst v63  }
0x135: {  	s7 =	sadd.s32 $0xCE8, s1;
	s8 =	simm.s32 $0x118C0  }
0x136: {  	[tilespmem:s8], [sflag:$0x2] =	stream.indirect.gather [hbm4b:s3+s12], $0x20, s7, s12, $0xb8;
	[tilespmem:$0x13800] =	vst v63  }
0x137: {  	s9 =	sadd.s32 $0xD20, s1;
	s10 =	simm.s32 $0x11F00  }
0x138: {  	[tilespmem:s10], [sflag:$0x2] =	stream.indirect.gather [hbm4b:s3+s12], $0x20, s9, s12, $0xb8;
	[tilespmem:$0x13800] =	vst v63  }
0x139: {  	s11 =	sadd.s32 $0xD58, s1;
	s15 =	simm.s32 $0x12540  }
0x13a: {  	[tilespmem:s15], [sflag:$0x2] =	stream.indirect.gather [hbm4b:s3+s12], $0x20, s11, s12, $0xb8;
	[tilespmem:$0x13800] =	vst v63  }
0x13b: {  	s16 =	sadd.s32 $0xD90, s1;
	s17 =	simm.s32 $0x12B80  }
0x13c: {  	[tilespmem:s17], [sflag:$0x2] =	stream.indirect.gather [hbm4b:s3+s12], $0x20, s16, s12, $0xb8;
	[tilespmem:$0x13800] =	vst v63  }
0x13d: {  	s1 =	sadd.s32 $0xDC8, s1;
	s18 =	simm.s32 $0x131C0  }
0x13e: {  	[tilespmem:s18], [sflag:$0x2] =	stream.indirect.gather [hbm4b:s3+s12], $0x20, s1, s12, $0xb8;
	[tilespmem:$0x13800] =	vst v63  }
0x13f: {  	_ =	swait.ge [sflag:s23], $0x6400  }
0x140: {  	[sflag:s23] =	ssyncset.done $0x0  }
0x141: {  	s19 =	rddreg [dreg:$0x7];
	[sflag:s23] =	ssyncadd.s32 $0xFFFF9C00  }
0x142: {  	[hbm4b:s19+s2] =	stream.linear.scatter [tilespmem:s13], [sflag:$0x3], $0x6400, $0x38;
	[tilespmem:$0x13800] =	vst v63  }
0x143: {  	_ =	swait.ge [sflag:s28], $0x6400  }
0x144: {  	[sflag:s28] =	ssyncset.done $0x0  }
0x145: {  	s20 =	rddreg [dreg:$0x8];
	[sflag:s28] =	ssyncadd.s32 $0xFFFF9C00  }
0x146: {  	[hbm4b:s20+s2] =	stream.linear.scatter [tilespmem:s24], [sflag:$0x4], $0x6400, $0x38;
	[tilespmem:$0x13800] =	vst v63  }
0x147: {  	_ =	swait.ge [sflag:s25], $0x6400  }
0x148: {  	[sflag:s25] =	ssyncset.done $0x0  }
0x149: {  	[sflag:s25] =	ssyncadd.s32 $0xFFFF9C00  }
0x14a: {  	_ =	swait.ge [sflag:s30], $0x6400  }
0x14b: {  	s22 =	rddreg [dreg:$0xa]  }
0x14c: {  	s31 =	simm.s32 $0x8F40;
	s26 =	rddreg [dreg:$0x5];
	s0 =	sadd.s32 $0x1, s22  }
0x14d: {  	s29 =	simm.s32 $0x9580;
	s4 =	simm.s32 $0xA200;
	p0 =	sne.s32 s0, s26  }
.Ltmp1:
0x14e: {  	s6 =	simm.s32 $0xA840;
	s5 =	simm.s32 $0xC140;
	(pc) =	sbr.rel @p0 .LBB2_1-.Ltmp1, $4  }
0x14f: {  	s7 =	simm.s32 $0xAE80;
	s8 =	simm.s32 $0xB4C0;
	s9 =	simm.s32 $0xBB00  }
0x150: {  	s10 =	simm.s32 $0xCDC0;
	s11 =	simm.s32 $0xC780;
	s16 =	simm.s32 $0x8900  }
0x151: {  	s18 =	simm.s32 $0x7640;
	s20 =	simm.s32 $0x9BC0;
	[sflag:s30] =	ssyncset.done $0x0  }
0x152: {  	[sflag:s30] =	ssyncadd.s32 $0xFFFF9C00;
	s22 =	simm.s32 $0x7C80;
	s26 =	simm.s32 $0x82C0  }
0x153: {  	_ =	sfence.sel $0x180000  }
0x154: {  	[bflag:$0x0] =	sbarrier.arrive $0xFFFF  }
0x155: {  	_ =	strace $0x90000047  }
0x156: {  	s0 =	stileid.u32;
	[bflag:$0x2] =	sbarrier.arrive $0xFFFF  }
0x157: {  	p0 =	sne.s32 s0, $0x0;
	s0 =	rddreg [dreg:$0x2]  }
0x158: {  	s0 =	sadd.s32 @!p0 $0x100000, s0  }
0x159: {  	[sflag:s0] =	ssyncadd.tile.s32 @!p0 $0x1;
	_ =	shalt  }
.Lfunc_end2:
_tile_overlayer_lowered:
.L_overlay_start_2:
0x15a: {  	(tag) =	ssettag $0x2  }
0x15b: {  	s0 =	rddreg [dreg:$0x0];
	s2 =	stileid.u32  }
0x15c: {  	s1 =	rddreg [dreg:$0x1];
	p0 =	sne.s32 s2, $0x0  }
0x15d: {  	s3 =	rddreg [dreg:$0x2];
	[bflag:$0x3] =	sbarrier.arrive $0xFFFF;
	s2 =	simm.s32 @!p0 $0x1C05  }
0x15e: {  	[timem:s3], [sflag:s2] =	dma.local @!p0 [hbm:s0], s1  }
0x15f: {  	s0 =	simm.s32 @!p0 $0x5  }
0x160: {  	_ =	swait.ge @!p0 [sflag:s0], s1  }
0x161: {  	s1 =	ssub.s32 @!p0 $0x0, s1;
	[sflag:s0] =	ssyncset.done @!p0 $0x0  }
0x162: {  	[sflag:s0] =	ssyncadd.s32 @!p0 s1  }
0x163: {  	[bflag:$0x3] =	sbarrier.arrive $0xFFFF  }
0x164: {  	_ =	shalt  }

// kernel: sparse-core-data-format-call.cloned.1.call-start
scs
called_computation_lowered:
.L_overlay_start_0:
0x0: {  	s2 =	sld [smem:$0x3FD9]  }
0x1: {  	s3 =	sld [smem:$0x3FFE];
	_ =	sdelay $0x1  }
0x2: {  	s1 =	srdreg.scid  }
0x3: {  	s0 =	sand.u32 $0x1, s1  }
0x4: {  	s18 =	sshll.u32 s0, $0xA;
	s2 =	sadd.s32 s3, s2  }
0x5: {  	s2 =	sadd.s32 s2, s18  }
0x6: {  	[smem:$0x3FC6] =	sst s2  }
0x7: {  	_ = 	snop  }
0x8: {  	s2 =	sld [smem:$0x3FD0];
	(tm) =	ssettm $0x1  }
0x9: {  	s19 =	sld [smem:$0x3FFB];
	_ =	sdelay $0x3  }
0xa: {  	_ =	strace s19  }
0xb: {  	s3 =	sld [smem:$0x3FFC];
	_ =	sdelay $0x3  }
0xc: {  	_ =	strace s3  }
0xd: {  	s3 =	sld [smem:$0x3FFD];
	_ =	sdelay $0x3  }
0xe: {  	_ =	strace s3  }
0xf: {  	_ =	strace $0x8FFFFFFF  }
0x10: {  	s20 =	sld [smem:$0x3FDB];
	_ =	sdelay $0x1  }
0x11: {  	s4 =	simm.s32 $_scs_section_size  }
0x12: {  	s5 =	simm.s32 $_size__tile_overlayer_lowered;
	s6 =	simm.s32 $_tile_overlayer_lowered  }
0x13: {  	s23 =	simm.s32 $0x1BFF;
	s22 =	sshll.u32 s6, $0x1;
	s3 =	sadd.s32 s4, s20  }
0x14: {  	s7 =	simm.s32 $0x0;
	s21 =	sshll.u32 s5, $0x1;
	s5 =	sadd.s32 s22, s3  }
0x15: {  	[timem:s7], [sflag:s23] =	dma.local [hbm:s5], s21  }
0x16: {  	_ =	swait.ge [sflag:s23], s21  }
0x17: {  	s4 =	ssub.s32 $0x0, s21;
	[sflag:s23] =	ssyncset.done $0x0  }
0x18: {  	[sflag:s23] =	ssyncadd.s32 s4;
	_ =	sdelay $0x1  }
0x19: {  	s24 =	simm.s32 $0x1B8B  }
0x1a: {  	_ =	swait.ge [sflag:s24], $0x1  }
0x1b: {  	[sflag:s24] =	ssyncset.done $0x0  }
0x1c: {  	s26 =	simm.s32 $0x1B8E;
	s25 =	sld [smem:$0x3FFE];
	[sflag:s24] =	ssyncadd.s32 $0xFFFFFFFF  }
0x1d: {  	s27 =	simm.s32 $execute0_lowered;
	[smem:$0x3FD2] =	sst s26  }
0x1e: {  	s5 =	sshll.u32 s27, $0x1;
	_ =	strace $0x80000049;
	[dreg:$0x1] =	wrdreg $0xFFFFFFFF  }
0x1f: {  	s28 =	simm.s32 $_size_execute0_lowered;
	s3 =	sadd.s32 s3, s5;
	[dreg:$0x0] =	wrdreg $0x0  }
0x20: {  	s5 =	sshll.u32 s28, $0x1;
	[dreg:$0x2] =	wrdreg s3  }
0x21: {  	[dreg:$0x3] =	wrdreg s5  }
0x22: {  	[dreg:$0x4] =	wrdreg $0xC0  }
0x23: {  	_ =	task [dreg:s7], $0x5FFFF  }
0x24: {  	[dreg:$0x1] =	wrdreg $0xFFFFFFFF  }
0x25: {  	[dreg:$0x0] =	wrdreg $0x60  }
0x26: {  	[dreg:$0x2] =	wrdreg s25  }
0x27: {  	[dreg:$0x3] =	wrdreg s2  }
0x28: {  	[dreg:$0x4] =	wrdreg $0x9  }
0x29: {  	_ =	task.clear_ibuf [dreg:s7], $0x5FFFF;
	_ =	strace $0x90000049  }
0x2a: {  	s29 =	simm.s32 $0x9;
	_ =	strace $0x8000004B  }
0x2b: {  	_ =	swait.ge [sflag:s29], $0x1  }
0x2c: {  	[sflag:s29] =	ssyncadd.s32 $0xFFFFFFFF  }
0x2d: {  	_ =	strace $0x9000004B  }
0x2e: {  	_ =	sfence  }
0x2f: {  	s30 =	sld [smem:$0x0];
	_ =	sdelay $0x2  }
0x30: {  	s31 =	sshll.u32 s1, $0xD;
	s1 =	sshrl.u32 s1, $0x2  }
0x31: {  	s3 =	sand.u32 $0x4000, s31;
	s1 =	sadd.s32 s1, s30  }
0x32: {  	s0 =	sor.u32 s3, s0;
	s1 =	sshll.u32 s1, $0x11  }
0x33: {  	s0 =	sor.u32 s1, s0  }
0x34: {  	s0 =	sadd.s32 $0x8F2B, s0  }
0x35: {  	[sflag:s0] =	ssyncadd.remote.s32 $0x1  }
0x36: {  	_ =	sfence.sel $0xFFFF  }
0x37: {  	[dreg:$0x0] =	wrdreg $0xFFFFFFFF;
	(pc) =	sbr.abs _section_cstart, $3  }
0x38: {  	[dreg:$0x1] =	wrdreg $0xFFFFFFFF  }
0x39: {  	_ =	task.clear_ibuf [dreg:s7], $0x2FFFF;
	_ =	strace $0x9FFFFFFF  }
0x3a: {  	(tm) =	ssettm $0x7FFFFFFF  }
0x3b: {  	_ =	shalt  }
tec
execute0_lowered:
.L_overlay_start_1:
0x0: {  	(tag) =	ssettag $0x1  }
0x1: {  	s0 =	srdreg.scid  }
0x2: {  	s1 =	sshll.u32 s0, $0x4  }
0x3: {  	s0 =	stileid.u32;
	s1 =	sand.u32 $0x10, s1  }
0x4: {  	s1 =	sor.u32 s0, s1  }
0x5: {  	s6 =	rddreg [dreg:$0x0];
	s4 =	simm.s32 $0x1;
	s2 =	sshll.u32 s1, $0x7  }
0x6: {  	s7 =	simm.s32 $0x2;
	s12 =	simm.s32 $0x0;
	s1 =	ssub.s32 $0x4000, s2  }
0x7: {  	s8 =	simm.s32 $0x20000;
	s13 =	simm.s32 $0x0;
	s3 =	sand.u32 $0xF80, s1  }
0x8: {  	s9 =	simm.s32 $0x0;
	s5 =	sshrl.u32 s1, $0xC;
	p0 =	sne.s32 s3, $0x0  }
.Ltmp0:
0x9: {  	s1 =	rddreg [dreg:$0x2];
	s4 =	simm.s32 @!p0 $0x0;
	(pc) =	sbr.rel .LBB1_1-.Ltmp0, $4  }
0xa: {  	s11 =	simm.s32 $0x0;
	s3 =	rddreg [dreg:$0x1];
	s5 =	sadd.s32 s4, s5  }
0xb: {  	_ =	strace $0x8000004A;
	s4 =	simm.s32 $0x1;
	s5 =	smul.u32 $0x32, s5  }
0xc: {  	s6 =	sadd.s32 $0xA00, s6;
	s10 =	smov.u32 s2;
	[sflag:s4] =	ssyncpa.u1 $0x0  }
0xd: {  	p0 =	por $0x0, $0x0;
	[sflag:s7] =	ssyncpa.u1 $0x0;
	s7 =	sor.u32 $0x1, s5  }
.LBB1_4:
0xe: {  	s16 =	sshll.u32 s13, $0x3;
	s17 =	sand.u32 $0x78, s13  }
0xf: {  	s30 =	sand.u32 $0xF800, s13;
	s12 =	sshll.u32 s12, $0x10;
	s16 =	sand.u32 $0x3C00, s16  }
0x10: {  	s31 =	sand.u32 $0x7, s13;
	s16 =	sor.u32 s17, s16;
	s17 =	sadd.s32 s3, s30  }
0x11: {  	s13 =	sshll.u32 s31, $0x12;
	s16 =	sshrl.u32 s16, $0x3;
	s12 =	sadd.s32 s12, s17  }
0x12: {  	[tilespmem:s15+$0x0 ss:$0x81] =	vst.msk $0xffff, v0;
	s13 =	sor.u32 $0x400, s13;
	s12 =	sadd.s32 s16, s12  }
0x13: {  	[hbm4b:s12+s13] =	stream.strided.scatter [tilespmem:s14], [sflag:$0x2], $0x1000, s8, s13, $0x20;
	[tilespmem:$0x4040] =	vst v63  }
.LBB1_5:
0x14: {  	s14 =	sadd.s32 $0x1, s9  }
0x15: {  	s12 =	sadd.s32 $0x1000, s10;
	s16 =	smov.u32 s10;
	p2 =	sgt.s32 s14, $0x31  }
0x16: {  	s16 =	smov.u32 @p2 s12  }
0x17: {  	s14 =	simm.s32 @p2 $0x0;
	p2 =	sgt.s32 s16, $0x3FFF  }
0x18: {  	s16 =	smov.u32 @p2 s2;
	p2 =	sne.s32 s11, s7  }
.Ltmp1:
0x19: {  	p1 =	slt.u32 s11, $0x2;
	(pc) =	sbr.rel @!p2 .LBB1_6-.Ltmp1, $4  }
0x1a: {  	s15 =	simm.s32 @!p1 $0x2  }
0x1b: {  	s13 =	smov.u32 s10;
	p0 =	por !p0, !p0;
	_ =	swait.ge @!p1 [sflag:s15], $0x1000  }
0x1c: {  	s12 =	smov.u32 s9;
	[sflag:s15] =	ssyncset.done @!p1 $0x0;
	s9 =	smov.u32 s14  }
0x1d: {  	s11 =	sadd.s32 $0x1, s11;
	[sflag:s15] =	ssyncadd.s32 @!p1 $0xFFFFF000;
	s10 =	smov.u32 s16  }
.LBB1_1:
0x1e: {  	p1 =	sge.u32 s11, s5  }
0x1f: {  	s14 =	sand.u32 @!p1 $0x1FFFFFF, s9  }
0x20: {  	s15 =	smulhi.u32 @!p1 $0x4924925, s14;
	_ =	sdelay $0x1  }
0x21: {  	s15 =	smul.u32 @!p1 $0x38, s15  }
0x22: {  	s16 =	sxor.u32 @!p1 $0xFFFFFFFF, s11;
	s17 =	smul.u32 @!p1 $0x380, s10  }
0x23: {  	s31 =	sadd.s32 $0xFFFFFFFF, s11;
	s16 =	sshll.u32 @!p1 s16, $0xC;
	s14 =	ssub.s32 @!p1 s14, s15  }
0x24: {  	s15 =	sand.u32 @!p1 $0x1000, s16;
	s16 =	sadd.s32 @!p1 s6, s17;
	s14 =	sshll.u32 @!p1 s14, $0x4  }
0x25: {  	s17 =	simm.s32 @!p1 $0x1C00;
	s14 =	sadd.s32 @!p1 s14, s16;
	s16 =	simm.s32 @!p1 $0x20  }
0x26: {  	[tilespmem:s15], [sflag:$0x1] =	stream.strided.gather @!p1 [hbm4b:s14+s16], $0x1000, s17, s16, $0x38;
	[tilespmem:$0x4040] =	vst v63  }
0x27: {  	p1 =	sge.u32 s31, s5  }
.Ltmp2:
0x28: {  	_ = 	snop;
	(pc) =	sbr.rel @p1 .LBB1_5-.Ltmp2, $1  }
0x29: {  	_ =	sdelay $0x3  }
0x2a: {  	s14 =	simm.s32 $0x1  }
0x2b: {  	_ =	swait.ge [sflag:s4], $0x1000;
	s14 =	simm.s32 @!p0 $0x0  }
0x2c: {  	[sflag:s4] =	ssyncset.done $0x0;
	s15 =	sshll.u32 s14, $0xC  }
0x2d: {  	[sflag:s4] =	ssyncadd.s32 $0xFFFFF000;
	s18 =	sor.u32 $0x10, s15  }
0x2e: {  	s14 =	smul.u32 $0x4080, s14;
	v1 =	vld [tilespmem:s18+$0x0]  }
0x2f: {  	s30 =	sand.u32 $0x1, s11;
	v0 =	vld [tilespmem:s18+$0xFFFFFFF0]  }
0x30: {  	s15 =	smul.u32 $0x4080, s30;
	s14 =	sshrl.u32 s14, $0x2  }
0x31: {  	s16 =	sor.u32 $0x2000, s14  }
0x32: {  	s31 =	sshrl.u32 s15, $0x2;
	s15 =	sadd.s32 $0x0, s16  }
0x33: {  	s17 =	simm.s32 $0x4;
	s18 =	sadd.s32 $0x20, s18;
	s14 =	sor.u32 $0x2000, s31;
	[tilespmem:s15+$0x810 ss:$0x81] =	vst.msk $0xffff, v1  }
.LBB1_3:
0x34: {  	v1 =	vld [tilespmem:s18+$0x0];
	p1 =	sne.s32 s17, $0x1FC;
	[tilespmem:s15+$0x0 ss:$0x81] =	vst.msk $0xffff, v0;
	s15 =	smov.u32 s17;
	s17 =	sadd.s32 $0x4, s17  }
.Ltmp3:
0x35: {  	v0 =	vld [tilespmem:s18+$0xFFFFFFF0];
	(pc) =	sbr.rel @p1 .LBB1_3-.Ltmp3, $4  }
0x36: {  	_ = 	snop  }
0x37: {  	s15 =	sshra.s32 s15, $0x2  }
0x38: {  	s15 =	sadd.s32 s15, s16  }
0x39: {  	s18 =	sadd.s32 $0x20, s18;
	[tilespmem:s15+$0x810 ss:$0x81] =	vst.msk $0xffff, v1  }
.Ltmp4:
0x3a: {  	_ = 	snop;
	(pc) =	sbr.rel .LBB1_4-.Ltmp4, $1  }
0x3b: {  	_ =	sdelay $0x3  }
.LBB1_6:
0x3c: {  	_ =	sfence.sel $0x180000  }
0x3d: {  	s2 =	simm.s32 $0x1;
	[bflag:$0x0] =	sbarrier.arrive $0xFFFF  }
0x3e: {  	s31 =	simm.s32 $0x2;
	[sflag:s2] =	ssyncpa.u1 $0x1  }
0x3f: {  	[sflag:s31] =	ssyncpa.u1 $0x1  }
0x40: {  	p0 =	sne.s32 s0, $0x0;
	_ =	strace $0x9000004A  }
0x41: {  	s0 =	sadd.s32 @!p0 $0x100000, s1;
	[bflag:$0x2] =	sbarrier.arrive $0xFFFF  }
0x42: {  	[sflag:s0] =	ssyncadd.tile.s32 @!p0 $0x1;
	_ =	shalt  }
.Lfunc_end1:
_tile_overlayer_lowered:
.L_overlay_start_2:
0x43: {  	(tag) =	ssettag $0x2  }
0x44: {  	s0 =	rddreg [dreg:$0x0];
	s2 =	stileid.u32  }
0x45: {  	s1 =	rddreg [dreg:$0x1];
	p0 =	sne.s32 s2, $0x0  }
0x46: {  	s3 =	rddreg [dreg:$0x2];
	[bflag:$0x3] =	sbarrier.arrive $0xFFFF;
	s2 =	simm.s32 @!p0 $0x1C01  }
0x47: {  	[timem:s3], [sflag:s2] =	dma.local @!p0 [hbm:s0], s1  }
0x48: {  	s0 =	simm.s32 @!p0 $0x1  }
0x49: {  	_ =	swait.ge @!p0 [sflag:s0], s1  }
0x4a: {  	s1 =	ssub.s32 @!p0 $0x0, s1;
	[sflag:s0] =	ssyncset.done @!p0 $0x0  }
0x4b: {  	[sflag:s0] =	ssyncadd.s32 @!p0 s1  }
0x4c: {  	[bflag:$0x3] =	sbarrier.arrive $0xFFFF  }
0x4d: {  	_ =	shalt  }

</sc_bundles>
